<compile_context>
chip_gen: v7x
topology: tpu7x:2x2x1
jax: 0.10.2.dev20260603
libtpu: 0.0.44.dev20260713+nightly
codegen_flags: <defaults>
</compile_context>

<pallas_src>
import functools

import numpy as np
import jax
import jax.numpy as jnp
from jax import lax
from jax.experimental import pallas as pl
from jax.experimental.pallas import tpu as pltpu
from jax.experimental.pallas import tpu_sc as plsc

_B = 4096
_F = 26
_D = 32
_P = _F * (_F - 1) // 2

_In, _Jn = np.triu_indices(_F, k=1)
_OHI = np.zeros((_F, _P), np.float32)
_OHJ = np.zeros((_F, _P), np.float32)
_OHI[_In, np.arange(_P)] = 1.0
_OHJ[_Jn, np.arange(_P)] = 1.0

_NC = 2
_NS = 16
_NW = _NC * _NS
_TOT = _B * _F
_BPW = _TOT // _NW


def _sc_body(tab_hbm, lin_hbm, idx_hbm, rows_hbm, linr_hbm,
             idx_v, rows_v, linr_v, sem_e, sem_l):
    wid = lax.axis_index("s") * _NC + lax.axis_index("c")
    base = wid * _BPW
    pltpu.sync_copy(idx_hbm.at[pl.ds(base, _BPW)], idx_v)
    cp_e = pltpu.async_copy(tab_hbm.at[idx_v], rows_v, sem_e)
    cp_l = pltpu.async_copy(lin_hbm.at[idx_v], linr_v, sem_l)
    cp_e.wait()
    cp_l.wait()
    pltpu.sync_copy(rows_v, rows_hbm.at[pl.ds(base, _BPW)])
    pltpu.sync_copy(linr_v, linr_hbm.at[pl.ds(base, _BPW)])


@functools.cache
def _sc_gather_fn():
    return functools.partial(
        pl.kernel,
        out_type=[
            jax.ShapeDtypeStruct((_TOT, _D), jnp.float32),
            jax.ShapeDtypeStruct((_TOT,), jnp.float32),
        ],
        mesh=plsc.VectorSubcoreMesh(core_axis_name="c", subcore_axis_name="s"),
        compiler_params=pltpu.CompilerParams(use_tc_tiling_on_sc=False),
        scratch_types=[
            pltpu.VMEM((_BPW,), jnp.int32),
            pltpu.VMEM((_BPW, _D), jnp.float32),
            pltpu.VMEM((_BPW,), jnp.float32),
            pltpu.SemaphoreType.DMA,
            pltpu.SemaphoreType.DMA,
        ],
    )(_sc_body)


_BLK = 128


def _tc_body(e2_ref, linr_ref, ohi_ref, ohj_ref, w15_ref, b1_ref, w2_ref,
             bias_ref, o_ref):
    e2 = e2_ref[...].reshape(_D * _BLK, _F)
    ei = jnp.dot(e2, ohi_ref[...], preferred_element_type=jnp.float32)
    ej = jnp.dot(e2, ohj_ref[...], preferred_element_type=jnp.float32)
    z3 = (ei * ej).reshape(_D, _BLK, _P)
    accs = [jnp.zeros((_BLK, _P), jnp.float32) for _ in range(5)]
    for d in range(_D):
        t = z3[d]
        for k in range(5):
            accs[k] = accs[k] + t * w15_ref[k, d]
    logits = sum(
        jnp.maximum(accs[k] + b1_ref[0, k], 0.0) * w2_ref[0, k]
        for k in range(4)
    )
    s = accs[4]
    m = jnp.max(logits, axis=1, keepdims=True)
    e = jnp.exp(logits - m)
    z = jnp.sum(e, axis=1, keepdims=True)
    att_part = jnp.sum(e * s, axis=1, keepdims=True) / z
    lin = jnp.sum(linr_ref[...], axis=1, keepdims=True)
    o_ref[...] = jax.nn.sigmoid(bias_ref[0, 0] + lin + att_part)


def _tc_afm(e2, linr, ohi, ohj, w15, b1r, w2r, biasr):
    grid = _B // _BLK
    return pl.pallas_call(
        _tc_body,
        grid=(grid,),
        in_specs=[
            pl.BlockSpec((_D, _BLK, _F), lambda i: (0, i, 0)),
            pl.BlockSpec((_BLK, _F), lambda i: (i, 0)),
            pl.BlockSpec((_F, _P), lambda i: (0, 0)),
            pl.BlockSpec((_F, _P), lambda i: (0, 0)),
            pl.BlockSpec(memory_space=pltpu.SMEM),
            pl.BlockSpec(memory_space=pltpu.SMEM),
            pl.BlockSpec(memory_space=pltpu.SMEM),
            pl.BlockSpec(memory_space=pltpu.SMEM),
        ],
        out_specs=pl.BlockSpec((_BLK, 1), lambda i: (i, 0)),
        out_shape=jax.ShapeDtypeStruct((_B, 1), jnp.float32),
    )(e2, linr, ohi, ohj, w15, b1r, w2r, biasr)


def kernel(x, emb_table, lin_table, bias, p, W1, b1, W2):
    idx = x.astype(jnp.int32).reshape(-1)
    rows, linrows = _sc_gather_fn()(emb_table, lin_table.reshape(-1), idx)
    e2 = rows.reshape(_B, _F, _D).transpose(2, 0, 1)
    linr = linrows.reshape(_B, _F)
    w15 = jnp.concatenate([W1, p[:, None]], axis=1).T
    return _tc_afm(e2, linr, jnp.asarray(_OHI), jnp.asarray(_OHJ), w15,
                   b1.reshape(1, 4), W2.reshape(1, 4), bias.reshape(1, 1))

# --- scband reference (transcript-rebuilt; emitter-appended) ---
"""Pipeline reference for scband-afm-79250736546638 (READ-ONLY COPY).

The authoritative reference and input builder live on the scoring server;
editing this copy changes nothing except your own understanding.
"""

import jax, jax.numpy as jnp
import numpy as np

B = 4096
NUM_FIELDS = 26
VOCAB = 100000
EMB = 32
T = 4

# precompute pairwise field index pairs (i<j), P = 26*25/2 = 325
_I, _J = np.triu_indices(NUM_FIELDS, k=1)
_I = jnp.asarray(_I)
_J = jnp.asarray(_J)


def setup_inputs(seed: int = 0) -> dict:
    key = jax.random.key(seed)
    ks = jax.random.split(key, 8)
    x = jax.random.randint(ks[0], (B, NUM_FIELDS), 0, VOCAB, dtype=jnp.int64 if jax.config.jax_enable_x64 else jnp.int32)
    emb_table = jax.random.normal(ks[1], (VOCAB, EMB), dtype=jnp.float32) * 0.01
    lin_table = jax.random.normal(ks[2], (VOCAB, 1), dtype=jnp.float32) * 0.01
    bias = jnp.zeros((1,), dtype=jnp.float32)
    p = jax.random.normal(ks[3], (EMB,), dtype=jnp.float32) * (1.0 / np.sqrt(EMB))
    W1 = jax.random.normal(ks[4], (EMB, T), dtype=jnp.float32) * (1.0 / np.sqrt(EMB))
    b1 = jnp.zeros((T,), dtype=jnp.float32)
    W2 = jax.random.normal(ks[5], (T, 1), dtype=jnp.float32) * (1.0 / np.sqrt(T))
    return {"x": x, "emb_table": emb_table, "lin_table": lin_table, "bias": bias, "p": p, "W1": W1, "b1": b1, "W2": W2}


def reference(x, emb_table, lin_table, bias, p, W1, b1, W2):
    # FeatureEmbedding: gather per-field embeddings
    emb = jnp.take(emb_table, x, axis=0)  # [B, F, D]
    # FeatureInteraction: pairwise element-wise products over field pairs
    inter = emb[:, _I, :] * emb[:, _J, :]  # [B, P, D]
    # AttentionNet: Linear(D, T) -> ReLU -> Linear(T, 1, bias=False) -> Flatten -> Softmax(dim=1)
    h = jax.nn.relu(jnp.einsum('bpd,dt->bpt', inter, W1) + b1)  # [B, P, T]
    logits = jnp.einsum('bpt,to->bpo', h, W2)[..., 0]  # [B, P]
    att = jax.nn.softmax(logits, axis=1)  # [B, P]
    # attention-weighted interaction, projected by p
    att_sum = jnp.sum(att[..., None] * inter, axis=1)  # [B, D]
    att_part = jnp.sum(att_sum * p, axis=1)[:, None]  # [B, 1]
    # linear term: FeatureEmbedding(feature_nums, 1) summed over fields
    lin = jnp.sum(jnp.take(lin_table, x, axis=0), axis=1)  # [B, 1]
    out = bias + lin + att_part  # [B, 1]
    return jax.nn.sigmoid(out)

if __name__ == "__main__":
    import jax
    _d = setup_inputs()
    print(jax.jit(kernel)(*tuple(_d.values())))

</pallas_src>

<mosaic_0001>
#map = affine_map<(d0, d1) -> (0, 0)>
#map1 = affine_map<(d0, d1) -> (0)>
module attributes {stable_mosaic.version = 14 : i64} {
  func.func @_sc_body(%arg0: i32, %arg1: i32, %arg2: memref<100000x32xf32, #tpu.memory_space<hbm>>, %arg3: memref<100000xf32, #tpu.memory_space<hbm>>, %arg4: memref<106496xi32, #tpu.memory_space<hbm>>, %arg5: memref<106496x32xf32, #tpu.memory_space<hbm>>, %arg6: memref<106496xf32, #tpu.memory_space<hbm>>, %arg7: memref<3328xi32, #tpu.memory_space<vmem>>, %arg8: memref<3328x32xf32, #tpu.memory_space<vmem>>, %arg9: memref<3328xf32, #tpu.memory_space<vmem>>, %arg10: memref<!tpu.dma_semaphore, #tpu.memory_space<semaphore_mem>>, %arg11: memref<!tpu.dma_semaphore, #tpu.memory_space<semaphore_mem>>) attributes {dimension_semantics = [#tpu.dimension_semantics<core_parallel>, #tpu.dimension_semantics<subcore_parallel>], iteration_bounds = array<i64: 2, 16>, scalar_prefetch = 0 : i64, scratch_operands = 5 : i64, tpu.core_type = #tpu.core_type<sc_vector_subcore>, window_params = [{transform_indices = #map}, {transform_indices = #map1}, {transform_indices = #map1}, {transform_indices = #map}, {transform_indices = #map1}]} {
    %mul3A = arith.constant 2 : i32
    %mul3A_0 = arith.muli %arg1, %mul3A : i32
    %add3A = arith.addi %mul3A_0, %arg0 : i32
    %mul3A_1 = arith.constant 3328 : i32
    %mul3A_2 = arith.muli %add3A, %mul3A_1 : i32
    "tpu.region"() ({
      %run_scoped3A = tpu.sem_alloc : memref<!tpu.dma_semaphore, #tpu.memory_space<semaphore_mem>>
      %dma_start3A_11 = tpu.memref_slice %arg4[%mul3A_2] : memref<106496xi32, #tpu.memory_space<hbm>> -> memref<3328xi32, #tpu.memory_space<hbm>>
      %dma_start3A_12 = tpu.memref_slice %arg4[%mul3A_2] : memref<106496xi32, #tpu.memory_space<hbm>> -> memref<3328xi32, #tpu.memory_space<hbm>>
      tpu.enqueue_dma source(%dma_start3A_12 : memref<3328xi32, #tpu.memory_space<hbm>>) target(%arg7 : memref<3328xi32, #tpu.memory_space<vmem>>) target_semaphore(%run_scoped3A : memref<!tpu.dma_semaphore, #tpu.memory_space<semaphore_mem>>)
      %dma_wait3A_13 = tpu.memref_slice %arg4[%mul3A_2] : memref<106496xi32, #tpu.memory_space<hbm>> -> memref<3328xi32, #tpu.memory_space<hbm>>
      %dma_wait3A_14 = tpu.memref_slice %arg4[%mul3A_2] : memref<106496xi32, #tpu.memory_space<hbm>> -> memref<3328xi32, #tpu.memory_space<hbm>>
      tpu.wait_dma2 semaphore(%run_scoped3A : memref<!tpu.dma_semaphore, #tpu.memory_space<semaphore_mem>>) src(%dma_wait3A_14 : memref<3328xi32, #tpu.memory_space<hbm>>) dst(%arg7 : memref<3328xi32, #tpu.memory_space<vmem>>)
      tpu.yield
    }) : () -> ()
    %dma_start3A = arith.constant 0 : i32
    %dma_start3A_3 = arith.constant 0 : i32
    %dma_start3A_4 = tpu.memref_slice %arg2[%dma_start3A, %dma_start3A_3] : memref<100000x32xf32, #tpu.memory_space<hbm>> -> memref<100000x32xf32, #tpu.memory_space<hbm>>
    tpu.enqueue_indirect_dma source(%dma_start3A_4 : memref<100000x32xf32, #tpu.memory_space<hbm>>) target(%arg8 : memref<3328x32xf32, #tpu.memory_space<vmem>>) offsets(%arg7 : memref<3328xi32, #tpu.memory_space<vmem>>) semaphore(%arg10 : memref<!tpu.dma_semaphore, #tpu.memory_space<semaphore_mem>>)
    %dma_start3A_5 = arith.constant 0 : i32
    %dma_start3A_6 = tpu.memref_slice %arg3[%dma_start3A_5] : memref<100000xf32, #tpu.memory_space<hbm>> -> memref<100000xf32, #tpu.memory_space<hbm>>
    tpu.enqueue_indirect_dma source(%dma_start3A_6 : memref<100000xf32, #tpu.memory_space<hbm>>) target(%arg9 : memref<3328xf32, #tpu.memory_space<vmem>>) offsets(%arg7 : memref<3328xi32, #tpu.memory_space<vmem>>) semaphore(%arg11 : memref<!tpu.dma_semaphore, #tpu.memory_space<semaphore_mem>>)
    %dma_wait3A = arith.constant 0 : i32
    %dma_wait3A_7 = arith.constant 0 : i32
    %dma_wait3A_8 = tpu.memref_slice %arg2[%dma_wait3A, %dma_wait3A_7] : memref<100000x32xf32, #tpu.memory_space<hbm>> -> memref<100000x32xf32, #tpu.memory_space<hbm>>
    tpu.wait_indirect_dma semaphore(%arg10 : memref<!tpu.dma_semaphore, #tpu.memory_space<semaphore_mem>>) src(%dma_wait3A_8 : memref<100000x32xf32, #tpu.memory_space<hbm>>) dst(%arg8 : memref<3328x32xf32, #tpu.memory_space<vmem>>)
    %dma_wait3A_9 = arith.constant 0 : i32
    %dma_wait3A_10 = tpu.memref_slice %arg3[%dma_wait3A_9] : memref<100000xf32, #tpu.memory_space<hbm>> -> memref<100000xf32, #tpu.memory_space<hbm>>
    tpu.wait_indirect_dma semaphore(%arg11 : memref<!tpu.dma_semaphore, #tpu.memory_space<semaphore_mem>>) src(%dma_wait3A_10 : memref<100000xf32, #tpu.memory_space<hbm>>) dst(%arg9 : memref<3328xf32, #tpu.memory_space<vmem>>)
    "tpu.region"() ({
      %run_scoped3A = tpu.sem_alloc : memref<!tpu.dma_semaphore, #tpu.memory_space<semaphore_mem>>
      %dma_start3A_11 = arith.constant 0 : i32
      %dma_start3A_12 = tpu.memref_slice %arg5[%mul3A_2, %dma_start3A_11] : memref<106496x32xf32, #tpu.memory_space<hbm>> -> memref<3328x32xf32, #tpu.memory_space<hbm>>
      %dma_start3A_13 = arith.constant 0 : i32
      %dma_start3A_14 = tpu.memref_slice %arg5[%mul3A_2, %dma_start3A_13] : memref<106496x32xf32, #tpu.memory_space<hbm>> -> memref<3328x32xf32, #tpu.memory_space<hbm>>
      tpu.enqueue_dma source(%arg8 : memref<3328x32xf32, #tpu.memory_space<vmem>>) target(%dma_start3A_14 : memref<3328x32xf32, #tpu.memory_space<hbm>>) target_semaphore(%run_scoped3A : memref<!tpu.dma_semaphore, #tpu.memory_space<semaphore_mem>>)
      %dma_wait3A_15 = arith.constant 0 : i32
      %dma_wait3A_16 = tpu.memref_slice %arg5[%mul3A_2, %dma_wait3A_15] : memref<106496x32xf32, #tpu.memory_space<hbm>> -> memref<3328x32xf32, #tpu.memory_space<hbm>>
      %dma_wait3A_17 = arith.constant 0 : i32
      %dma_wait3A_18 = tpu.memref_slice %arg5[%mul3A_2, %dma_wait3A_17] : memref<106496x32xf32, #tpu.memory_space<hbm>> -> memref<3328x32xf32, #tpu.memory_space<hbm>>
      tpu.wait_dma2 semaphore(%run_scoped3A : memref<!tpu.dma_semaphore, #tpu.memory_space<semaphore_mem>>) src(%arg8 : memref<3328x32xf32, #tpu.memory_space<vmem>>) dst(%dma_wait3A_18 : memref<3328x32xf32, #tpu.memory_space<hbm>>)
      tpu.yield
    }) : () -> ()
    "tpu.region"() ({
      %run_scoped3A = tpu.sem_alloc : memref<!tpu.dma_semaphore, #tpu.memory_space<semaphore_mem>>
      %dma_start3A_11 = tpu.memref_slice %arg6[%mul3A_2] : memref<106496xf32, #tpu.memory_space<hbm>> -> memref<3328xf32, #tpu.memory_space<hbm>>
      %dma_start3A_12 = tpu.memref_slice %arg6[%mul3A_2] : memref<106496xf32, #tpu.memory_space<hbm>> -> memref<3328xf32, #tpu.memory_space<hbm>>
      tpu.enqueue_dma source(%arg9 : memref<3328xf32, #tpu.memory_space<vmem>>) target(%dma_start3A_12 : memref<3328xf32, #tpu.memory_space<hbm>>) target_semaphore(%run_scoped3A : memref<!tpu.dma_semaphore, #tpu.memory_space<semaphore_mem>>)
      %dma_wait3A_13 = tpu.memref_slice %arg6[%mul3A_2] : memref<106496xf32, #tpu.memory_space<hbm>> -> memref<3328xf32, #tpu.memory_space<hbm>>
      %dma_wait3A_14 = tpu.memref_slice %arg6[%mul3A_2] : memref<106496xf32, #tpu.memory_space<hbm>> -> memref<3328xf32, #tpu.memory_space<hbm>>
      tpu.wait_dma2 semaphore(%run_scoped3A : memref<!tpu.dma_semaphore, #tpu.memory_space<semaphore_mem>>) src(%arg9 : memref<3328xf32, #tpu.memory_space<vmem>>) dst(%dma_wait3A_14 : memref<3328xf32, #tpu.memory_space<hbm>>)
      tpu.yield
    }) : () -> ()
    return
  }
}

module attributes {stable_mosaic.version = 14 : i64} {
  func.func @_tc_body(%arg0: i32, %arg1: memref<32x128x26xf32, #tpu.memory_space<vmem>>, %arg2: memref<128x26xf32, #tpu.memory_space<vmem>>, %arg3: memref<26x325xf32, #tpu.memory_space<vmem>>, %arg4: memref<26x325xf32, #tpu.memory_space<vmem>>, %arg5: memref<5x32xf32, #tpu.memory_space<smem>>, %arg6: memref<1x4xf32, #tpu.memory_space<smem>>, %arg7: memref<1x4xf32, #tpu.memory_space<smem>>, %arg8: memref<1x1xf32, #tpu.memory_space<smem>>, %arg9: memref<128x1xf32, #tpu.memory_space<vmem>>) attributes {dimension_semantics = [#tpu.dimension_semantics<arbitrary>], iteration_bounds = array<i64: 32>, scalar_prefetch = 0 : i64, scratch_operands = 0 : i64, tpu.core_type = #tpu.core_type<tc>, window_params = [{transform_indices = @transform_0, window_bounds = array<i64: 32, 128, 26>}, {transform_indices = @transform_1, window_bounds = array<i64: 128, 26>}, {pipeline_mode = #tpu.pipeline_mode<synchronous>, transform_indices = @transform_2, window_bounds = array<i64: 26, 325>}, {pipeline_mode = #tpu.pipeline_mode<synchronous>, transform_indices = @transform_3, window_bounds = array<i64: 26, 325>}, {transform_indices = @transform_4, window_bounds = array<i64: 5, 32>}, {transform_indices = @transform_5, window_bounds = array<i64: 1, 4>}, {transform_indices = @transform_6, window_bounds = array<i64: 1, 4>}, {transform_indices = @transform_7, window_bounds = array<i64: 1, 1>}, {transform_indices = @transform_8, window_bounds = array<i64: 128, 1>}]} {
    %get3A = arith.constant 0 : index
    %get3A_0 = arith.constant 0 : index
    %get3A_1 = arith.constant 0 : index
    %get3A_2 = vector.load %arg1[%get3A, %get3A_0, %get3A_1] : memref<32x128x26xf32, #tpu.memory_space<vmem>>, vector<32x128x26xf32>
    %reshape3A = vector.shape_cast %get3A_2 : vector<32x128x26xf32> to vector<4096x26xf32>
    %get3A_3 = arith.constant 0 : index
    %get3A_4 = arith.constant 0 : index
    %get3A_5 = vector.load %arg3[%get3A_3, %get3A_4] : memref<26x325xf32, #tpu.memory_space<vmem>>, vector<26x325xf32>
    %dot_general3A = arith.constant dense<0.000000e+00> : vector<4096x325xf32>
    %dot_general3A_6 = tpu.matmul %reshape3A, %get3A_5, %dot_general3A {dimension_numbers = #tpu.dot_dimension_numbers<[1], [0], [0], [1], [0, 0, 1, 1], [], []>, transpose_lhs_hint = false} : vector<4096x26xf32>, vector<26x325xf32>, vector<4096x325xf32> -> vector<4096x325xf32>
    %get3A_7 = arith.constant 0 : index
    %get3A_8 = arith.constant 0 : index
    %get3A_9 = vector.load %arg4[%get3A_7, %get3A_8] : memref<26x325xf32, #tpu.memory_space<vmem>>, vector<26x325xf32>
    %dot_general3A_10 = arith.constant dense<0.000000e+00> : vector<4096x325xf32>
    %dot_general3A_11 = tpu.matmul %reshape3A, %get3A_9, %dot_general3A_10 {dimension_numbers = #tpu.dot_dimension_numbers<[1], [0], [0], [1], [0, 0, 1, 1], [], []>, transpose_lhs_hint = false} : vector<4096x26xf32>, vector<26x325xf32>, vector<4096x325xf32> -> vector<4096x325xf32>
    %mul3A = arith.mulf %dot_general3A_6, %dot_general3A_11 : vector<4096x325xf32>
    %reshape3A_12 = vector.shape_cast %mul3A : vector<4096x325xf32> to vector<32x128x325xf32>
    %broadcast_in_dim3A = arith.constant 0.000000e+00 : f32
    %broadcast_in_dim3A_13 = vector.broadcast %broadcast_in_dim3A : f32 to vector<128x325xf32>
    %broadcast_in_dim3A_14 = arith.constant 0.000000e+00 : f32
    %broadcast_in_dim3A_15 = vector.broadcast %broadcast_in_dim3A_14 : f32 to vector<128x325xf32>
    %broadcast_in_dim3A_16 = arith.constant 0.000000e+00 : f32
    %broadcast_in_dim3A_17 = vector.broadcast %broadcast_in_dim3A_16 : f32 to vector<128x325xf32>
    %broadcast_in_dim3A_18 = arith.constant 0.000000e+00 : f32
    %broadcast_in_dim3A_19 = vector.broadcast %broadcast_in_dim3A_18 : f32 to vector<128x325xf32>
    %broadcast_in_dim3A_20 = arith.constant 0.000000e+00 : f32
    %broadcast_in_dim3A_21 = vector.broadcast %broadcast_in_dim3A_20 : f32 to vector<128x325xf32>
    %slice3A = vector.extract_strided_slice %reshape3A_12 {offsets = [0, 0, 0], sizes = [1, 128, 325], strides = [1, 1, 1]} : vector<32x128x325xf32> to vector<1x128x325xf32>
    %squeeze3A = vector.shape_cast %slice3A : vector<1x128x325xf32> to vector<128x325xf32>
    %get3A_22 = arith.constant 0 : index
    %get3A_23 = arith.constant 0 : index
    %get3A_24 = memref.load %arg5[%get3A_22, %get3A_23] : memref<5x32xf32, #tpu.memory_space<smem>>
    %mul3A_25 = vector.broadcast %get3A_24 : f32 to vector<128x325xf32>
    %mul3A_26 = arith.mulf %squeeze3A, %mul3A_25 : vector<128x325xf32>
    %add3A = arith.addf %broadcast_in_dim3A_13, %mul3A_26 : vector<128x325xf32>
    %get3A_27 = arith.constant 1 : index
    %get3A_28 = arith.constant 0 : index
    %get3A_29 = memref.load %arg5[%get3A_27, %get3A_28] : memref<5x32xf32, #tpu.memory_space<smem>>
    %mul3A_30 = vector.broadcast %get3A_29 : f32 to vector<128x325xf32>
    %mul3A_31 = arith.mulf %squeeze3A, %mul3A_30 : vector<128x325xf32>
    %add3A_32 = arith.addf %broadcast_in_dim3A_15, %mul3A_31 : vector<128x325xf32>
    %get3A_33 = arith.constant 2 : index
    %get3A_34 = arith.constant 0 : index
    %get3A_35 = memref.load %arg5[%get3A_33, %get3A_34] : memref<5x32xf32, #tpu.memory_space<smem>>
    %mul3A_36 = vector.broadcast %get3A_35 : f32 to vector<128x325xf32>
    %mul3A_37 = arith.mulf %squeeze3A, %mul3A_36 : vector<128x325xf32>
    %add3A_38 = arith.addf %broadcast_in_dim3A_17, %mul3A_37 : vector<128x325xf32>
    %get3A_39 = arith.constant 3 : index
    %get3A_40 = arith.constant 0 : index
    %get3A_41 = memref.load %arg5[%get3A_39, %get3A_40] : memref<5x32xf32, #tpu.memory_space<smem>>
    %mul3A_42 = vector.broadcast %get3A_41 : f32 to vector<128x325xf32>
    %mul3A_43 = arith.mulf %squeeze3A, %mul3A_42 : vector<128x325xf32>
    %add3A_44 = arith.addf %broadcast_in_dim3A_19, %mul3A_43 : vector<128x325xf32>
    %get3A_45 = arith.constant 4 : index
    %get3A_46 = arith.constant 0 : index
    %get3A_47 = memref.load %arg5[%get3A_45, %get3A_46] : memref<5x32xf32, #tpu.memory_space<smem>>
    %mul3A_48 = vector.broadcast %get3A_47 : f32 to vector<128x325xf32>
    %mul3A_49 = arith.mulf %squeeze3A, %mul3A_48 : vector<128x325xf32>
    %add3A_50 = arith.addf %broadcast_in_dim3A_21, %mul3A_49 : vector<128x325xf32>
    %slice3A_51 = vector.extract_strided_slice %reshape3A_12 {offsets = [1, 0, 0], sizes = [1, 128, 325], strides = [1, 1, 1]} : vector<32x128x325xf32> to vector<1x128x325xf32>
    %squeeze3A_52 = vector.shape_cast %slice3A_51 : vector<1x128x325xf32> to vector<128x325xf32>
    %get3A_53 = arith.constant 0 : index
    %get3A_54 = arith.constant 1 : index
    %get3A_55 = memref.load %arg5[%get3A_53, %get3A_54] : memref<5x32xf32, #tpu.memory_space<smem>>
    %mul3A_56 = vector.broadcast %get3A_55 : f32 to vector<128x325xf32>
    %mul3A_57 = arith.mulf %squeeze3A_52, %mul3A_56 : vector<128x325xf32>
    %add3A_58 = arith.addf %add3A, %mul3A_57 : vector<128x325xf32>
    %get3A_59 = arith.constant 1 : index
    %get3A_60 = arith.constant 1 : index
    %get3A_61 = memref.load %arg5[%get3A_59, %get3A_60] : memref<5x32xf32, #tpu.memory_space<smem>>
    %mul3A_62 = vector.broadcast %get3A_61 : f32 to vector<128x325xf32>
    %mul3A_63 = arith.mulf %squeeze3A_52, %mul3A_62 : vector<128x325xf32>
    %add3A_64 = arith.addf %add3A_32, %mul3A_63 : vector<128x325xf32>
    %get3A_65 = arith.constant 2 : index
    %get3A_66 = arith.constant 1 : index
    %get3A_67 = memref.load %arg5[%get3A_65, %get3A_66] : memref<5x32xf32, #tpu.memory_space<smem>>
    %mul3A_68 = vector.broadcast %get3A_67 : f32 to vector<128x325xf32>
    %mul3A_69 = arith.mulf %squeeze3A_52, %mul3A_68 : vector<128x325xf32>
    %add3A_70 = arith.addf %add3A_38, %mul3A_69 : vector<128x325xf32>
    %get3A_71 = arith.constant 3 : index
    %get3A_72 = arith.constant 1 : index
    %get3A_73 = memref.load %arg5[%get3A_71, %get3A_72] : memref<5x32xf32, #tpu.memory_space<smem>>
    %mul3A_74 = vector.broadcast %get3A_73 : f32 to vector<128x325xf32>
    %mul3A_75 = arith.mulf %squeeze3A_52, %mul3A_74 : vector<128x325xf32>
    %add3A_76 = arith.addf %add3A_44, %mul3A_75 : vector<128x325xf32>
    %get3A_77 = arith.constant 4 : index
    %get3A_78 = arith.constant 1 : index
    %get3A_79 = memref.load %arg5[%get3A_77, %get3A_78] : memref<5x32xf32, #tpu.memory_space<smem>>
    %mul3A_80 = vector.broadcast %get3A_79 : f32 to vector<128x325xf32>
    %mul3A_81 = arith.mulf %squeeze3A_52, %mul3A_80 : vector<128x325xf32>
    %add3A_82 = arith.addf %add3A_50, %mul3A_81 : vector<128x325xf32>
    %slice3A_83 = vector.extract_strided_slice %reshape3A_12 {offsets = [2, 0, 0], sizes = [1, 128, 325], strides = [1, 1, 1]} : vector<32x128x325xf32> to vector<1x128x325xf32>
    %squeeze3A_84 = vector.shape_cast %slice3A_83 : vector<1x128x325xf32> to vector<128x325xf32>
    %get3A_85 = arith.constant 0 : index
    %get3A_86 = arith.constant 2 : index
    %get3A_87 = memref.load %arg5[%get3A_85, %get3A_86] : memref<5x32xf32, #tpu.memory_space<smem>>
    %mul3A_88 = vector.broadcast %get3A_87 : f32 to vector<128x325xf32>
    %mul3A_89 = arith.mulf %squeeze3A_84, %mul3A_88 : vector<128x325xf32>
    %add3A_90 = arith.addf %add3A_58, %mul3A_89 : vector<128x325xf32>
    %get3A_91 = arith.constant 1 : index
    %get3A_92 = arith.constant 2 : index
    %get3A_93 = memref.load %arg5[%get3A_91, %get3A_92] : memref<5x32xf32, #tpu.memory_space<smem>>
    %mul3A_94 = vector.broadcast %get3A_93 : f32 to vector<128x325xf32>
    %mul3A_95 = arith.mulf %squeeze3A_84, %mul3A_94 : vector<128x325xf32>
    %add3A_96 = arith.addf %add3A_64, %mul3A_95 : vector<128x325xf32>
    %get3A_97 = arith.constant 2 : index
    %get3A_98 = arith.constant 2 : index
    %get3A_99 = memref.load %arg5[%get3A_97, %get3A_98] : memref<5x32xf32, #tpu.memory_space<smem>>
    %mul3A_100 = vector.broadcast %get3A_99 : f32 to vector<128x325xf32>
    %mul3A_101 = arith.mulf %squeeze3A_84, %mul3A_100 : vector<128x325xf32>
    %add3A_102 = arith.addf %add3A_70, %mul3A_101 : vector<128x325xf32>
    %get3A_103 = arith.constant 3 : index
    %get3A_104 = arith.constant 2 : index
    %get3A_105 = memref.load %arg5[%get3A_103, %get3A_104] : memref<5x32xf32, #tpu.memory_space<smem>>
    %mul3A_106 = vector.broadcast %get3A_105 : f32 to vector<128x325xf32>
    %mul3A_107 = arith.mulf %squeeze3A_84, %mul3A_106 : vector<128x325xf32>
    %add3A_108 = arith.addf %add3A_76, %mul3A_107 : vector<128x325xf32>
    %get3A_109 = arith.constant 4 : index
    %get3A_110 = arith.constant 2 : index
    %get3A_111 = memref.load %arg5[%get3A_109, %get3A_110] : memref<5x32xf32, #tpu.memory_space<smem>>
    %mul3A_112 = vector.broadcast %get3A_111 : f32 to vector<128x325xf32>
    %mul3A_113 = arith.mulf %squeeze3A_84, %mul3A_112 : vector<128x325xf32>
    %add3A_114 = arith.addf %add3A_82, %mul3A_113 : vector<128x325xf32>
    %slice3A_115 = vector.extract_strided_slice %reshape3A_12 {offsets = [3, 0, 0], sizes = [1, 128, 325], strides = [1, 1, 1]} : vector<32x128x325xf32> to vector<1x128x325xf32>
    %squeeze3A_116 = vector.shape_cast %slice3A_115 : vector<1x128x325xf32> to vector<128x325xf32>
    %get3A_117 = arith.constant 0 : index
    %get3A_118 = arith.constant 3 : index
    %get3A_119 = memref.load %arg5[%get3A_117, %get3A_118] : memref<5x32xf32, #tpu.memory_space<smem>>
    %mul3A_120 = vector.broadcast %get3A_119 : f32 to vector<128x325xf32>
    %mul3A_121 = arith.mulf %squeeze3A_116, %mul3A_120 : vector<128x325xf32>
    %add3A_122 = arith.addf %add3A_90, %mul3A_121 : vector<128x325xf32>
    %get3A_123 = arith.constant 1 : index
    %get3A_124 = arith.constant 3 : index
    %get3A_125 = memref.load %arg5[%get3A_123, %get3A_124] : memref<5x32xf32, #tpu.memory_space<smem>>
    %mul3A_126 = vector.broadcast %get3A_125 : f32 to vector<128x325xf32>
    %mul3A_127 = arith.mulf %squeeze3A_116, %mul3A_126 : vector<128x325xf32>
    %add3A_128 = arith.addf %add3A_96, %mul3A_127 : vector<128x325xf32>
    %get3A_129 = arith.constant 2 : index
    %get3A_130 = arith.constant 3 : index
    %get3A_131 = memref.load %arg5[%get3A_129, %get3A_130] : memref<5x32xf32, #tpu.memory_space<smem>>
    %mul3A_132 = vector.broadcast %get3A_131 : f32 to vector<128x325xf32>
    %mul3A_133 = arith.mulf %squeeze3A_116, %mul3A_132 : vector<128x325xf32>
    %add3A_134 = arith.addf %add3A_102, %mul3A_133 : vector<128x325xf32>
    %get3A_135 = arith.constant 3 : index
    %get3A_136 = arith.constant 3 : index
    %get3A_137 = memref.load %arg5[%get3A_135, %get3A_136] : memref<5x32xf32, #tpu.memory_space<smem>>
    %mul3A_138 = vector.broadcast %get3A_137 : f32 to vector<128x325xf32>
    %mul3A_139 = arith.mulf %squeeze3A_116, %mul3A_138 : vector<128x325xf32>
    %add3A_140 = arith.addf %add3A_108, %mul3A_139 : vector<128x325xf32>
    %get3A_141 = arith.constant 4 : index
    %get3A_142 = arith.constant 3 : index
    %get3A_143 = memref.load %arg5[%get3A_141, %get3A_142] : memref<5x32xf32, #tpu.memory_space<smem>>
    %mul3A_144 = vector.broadcast %get3A_143 : f32 to vector<128x325xf32>
    %mul3A_145 = arith.mulf %squeeze3A_116, %mul3A_144 : vector<128x325xf32>
    %add3A_146 = arith.addf %add3A_114, %mul3A_145 : vector<128x325xf32>
    %slice3A_147 = vector.extract_strided_slice %reshape3A_12 {offsets = [4, 0, 0], sizes = [1, 128, 325], strides = [1, 1, 1]} : vector<32x128x325xf32> to vector<1x128x325xf32>
    %squeeze3A_148 = vector.shape_cast %slice3A_147 : vector<1x128x325xf32> to vector<128x325xf32>
    %get3A_149 = arith.constant 0 : index
    %get3A_150 = arith.constant 4 : index
    %get3A_151 = memref.load %arg5[%get3A_149, %get3A_150] : memref<5x32xf32, #tpu.memory_space<smem>>
    %mul3A_152 = vector.broadcast %get3A_151 : f32 to vector<128x325xf32>
    %mul3A_153 = arith.mulf %squeeze3A_148, %mul3A_152 : vector<128x325xf32>
    %add3A_154 = arith.addf %add3A_122, %mul3A_153 : vector<128x325xf32>
    %get3A_155 = arith.constant 1 : index
    %get3A_156 = arith.constant 4 : index
    %get3A_157 = memref.load %arg5[%get3A_155, %get3A_156] : memref<5x32xf32, #tpu.memory_space<smem>>
    %mul3A_158 = vector.broadcast %get3A_157 : f32 to vector<128x325xf32>
    %mul3A_159 = arith.mulf %squeeze3A_148, %mul3A_158 : vector<128x325xf32>
    %add3A_160 = arith.addf %add3A_128, %mul3A_159 : vector<128x325xf32>
    %get3A_161 = arith.constant 2 : index
    %get3A_162 = arith.constant 4 : index
    %get3A_163 = memref.load %arg5[%get3A_161, %get3A_162] : memref<5x32xf32, #tpu.memory_space<smem>>
    %mul3A_164 = vector.broadcast %get3A_163 : f32 to vector<128x325xf32>
    %mul3A_165 = arith.mulf %squeeze3A_148, %mul3A_164 : vector<128x325xf32>
    %add3A_166 = arith.addf %add3A_134, %mul3A_165 : vector<128x325xf32>
    %get3A_167 = arith.constant 3 : index
    %get3A_168 = arith.constant 4 : index
    %get3A_169 = memref.load %arg5[%get3A_167, %get3A_168] : memref<5x32xf32, #tpu.memory_space<smem>>
    %mul3A_170 = vector.broadcast %get3A_169 : f32 to vector<128x325xf32>
    %mul3A_171 = arith.mulf %squeeze3A_148, %mul3A_170 : vector<128x325xf32>
    %add3A_172 = arith.addf %add3A_140, %mul3A_171 : vector<128x325xf32>
    %get3A_173 = arith.constant 4 : index
    %get3A_174 = arith.constant 4 : index
    %get3A_175 = memref.load %arg5[%get3A_173, %get3A_174] : memref<5x32xf32, #tpu.memory_space<smem>>
    %mul3A_176 = vector.broadcast %get3A_175 : f32 to vector<128x325xf32>
    %mul3A_177 = arith.mulf %squeeze3A_148, %mul3A_176 : vector<128x325xf32>
    %add3A_178 = arith.addf %add3A_146, %mul3A_177 : vector<128x325xf32>
    %slice3A_179 = vector.extract_strided_slice %reshape3A_12 {offsets = [5, 0, 0], sizes = [1, 128, 325], strides = [1, 1, 1]} : vector<32x128x325xf32> to vector<1x128x325xf32>
    %squeeze3A_180 = vector.shape_cast %slice3A_179 : vector<1x128x325xf32> to vector<128x325xf32>
    %get3A_181 = arith.constant 0 : index
    %get3A_182 = arith.constant 5 : index
    %get3A_183 = memref.load %arg5[%get3A_181, %get3A_182] : memref<5x32xf32, #tpu.memory_space<smem>>
    %mul3A_184 = vector.broadcast %get3A_183 : f32 to vector<128x325xf32>
    %mul3A_185 = arith.mulf %squeeze3A_180, %mul3A_184 : vector<128x325xf32>
    %add3A_186 = arith.addf %add3A_154, %mul3A_185 : vector<128x325xf32>
    %get3A_187 = arith.constant 1 : index
    %get3A_188 = arith.constant 5 : index
    %get3A_189 = memref.load %arg5[%get3A_187, %get3A_188] : memref<5x32xf32, #tpu.memory_space<smem>>
    %mul3A_190 = vector.broadcast %get3A_189 : f32 to vector<128x325xf32>
    %mul3A_191 = arith.mulf %squeeze3A_180, %mul3A_190 : vector<128x325xf32>
    %add3A_192 = arith.addf %add3A_160, %mul3A_191 : vector<128x325xf32>
    %get3A_193 = arith.constant 2 : index
    %get3A_194 = arith.constant 5 : index
    %get3A_195 = memref.load %arg5[%get3A_193, %get3A_194] : memref<5x32xf32, #tpu.memory_space<smem>>
    %mul3A_196 = vector.broadcast %get3A_195 : f32 to vector<128x325xf32>
    %mul3A_197 = arith.mulf %squeeze3A_180, %mul3A_196 : vector<128x325xf32>
    %add3A_198 = arith.addf %add3A_166, %mul3A_197 : vector<128x325xf32>
    %get3A_199 = arith.constant 3 : index
    %get3A_200 = arith.constant 5 : index
    %get3A_201 = memref.load %arg5[%get3A_199, %get3A_200] : memref<5x32xf32, #tpu.memory_space<smem>>
    %mul3A_202 = vector.broadcast %get3A_201 : f32 to vector<128x325xf32>
    %mul3A_203 = arith.mulf %squeeze3A_180, %mul3A_202 : vector<128x325xf32>
    %add3A_204 = arith.addf %add3A_172, %mul3A_203 : vector<128x325xf32>
    %get3A_205 = arith.constant 4 : index
    %get3A_206 = arith.constant 5 : index
    %get3A_207 = memref.load %arg5[%get3A_205, %get3A_206] : memref<5x32xf32, #tpu.memory_space<smem>>
    %mul3A_208 = vector.broadcast %get3A_207 : f32 to vector<128x325xf32>
    %mul3A_209 = arith.mulf %squeeze3A_180, %mul3A_208 : vector<128x325xf32>
    %add3A_210 = arith.addf %add3A_178, %mul3A_209 : vector<128x325xf32>
    %slice3A_211 = vector.extract_strided_slice %reshape3A_12 {offsets = [6, 0, 0], sizes = [1, 128, 325], strides = [1, 1, 1]} : vector<32x128x325xf32> to vector<1x128x325xf32>
    %squeeze3A_212 = vector.shape_cast %slice3A_211 : vector<1x128x325xf32> to vector<128x325xf32>
    %get3A_213 = arith.constant 0 : index
    %get3A_214 = arith.constant 6 : index
    %get3A_215 = memref.load %arg5[%get3A_213, %get3A_214] : memref<5x32xf32, #tpu.memory_space<smem>>
    %mul3A_216 = vector.broadcast %get3A_215 : f32 to vector<128x325xf32>
    %mul3A_217 = arith.mulf %squeeze3A_212, %mul3A_216 : vector<128x325xf32>
    %add3A_218 = arith.addf %add3A_186, %mul3A_217 : vector<128x325xf32>
    %get3A_219 = arith.constant 1 : index
    %get3A_220 = arith.constant 6 : index
    %get3A_221 = memref.load %arg5[%get3A_219, %get3A_220] : memref<5x32xf32, #tpu.memory_space<smem>>
    %mul3A_222 = vector.broadcast %get3A_221 : f32 to vector<128x325xf32>
    %mul3A_223 = arith.mulf %squeeze3A_212, %mul3A_222 : vector<128x325xf32>
    %add3A_224 = arith.addf %add3A_192, %mul3A_223 : vector<128x325xf32>
    %get3A_225 = arith.constant 2 : index
    %get3A_226 = arith.constant 6 : index
    %get3A_227 = memref.load %arg5[%get3A_225, %get3A_226] : memref<5x32xf32, #tpu.memory_space<smem>>
    %mul3A_228 = vector.broadcast %get3A_227 : f32 to vector<128x325xf32>
    %mul3A_229 = arith.mulf %squeeze3A_212, %mul3A_228 : vector<128x325xf32>
    %add3A_230 = arith.addf %add3A_198, %mul3A_229 : vector<128x325xf32>
    %get3A_231 = arith.constant 3 : index
    %get3A_232 = arith.constant 6 : index
    %get3A_233 = memref.load %arg5[%get3A_231, %get3A_232] : memref<5x32xf32, #tpu.memory_space<smem>>
    %mul3A_234 = vector.broadcast %get3A_233 : f32 to vector<128x325xf32>
    %mul3A_235 = arith.mulf %squeeze3A_212, %mul3A_234 : vector<128x325xf32>
    %add3A_236 = arith.addf %add3A_204, %mul3A_235 : vector<128x325xf32>
    %get3A_237 = arith.constant 4 : index
    %get3A_238 = arith.constant 6 : index
    %get3A_239 = memref.load %arg5[%get3A_237, %get3A_238] : memref<5x32xf32, #tpu.memory_space<smem>>
    %mul3A_240 = vector.broadcast %get3A_239 : f32 to vector<128x325xf32>
    %mul3A_241 = arith.mulf %squeeze3A_212, %mul3A_240 : vector<128x325xf32>
    %add3A_242 = arith.addf %add3A_210, %mul3A_241 : vector<128x325xf32>
    %slice3A_243 = vector.extract_strided_slice %reshape3A_12 {offsets = [7, 0, 0], sizes = [1, 128, 325], strides = [1, 1, 1]} : vector<32x128x325xf32> to vector<1x128x325xf32>
    %squeeze3A_244 = vector.shape_cast %slice3A_243 : vector<1x128x325xf32> to vector<128x325xf32>
    %get3A_245 = arith.constant 0 : index
    %get3A_246 = arith.constant 7 : index
    %get3A_247 = memref.load %arg5[%get3A_245, %get3A_246] : memref<5x32xf32, #tpu.memory_space<smem>>
    %mul3A_248 = vector.broadcast %get3A_247 : f32 to vector<128x325xf32>
    %mul3A_249 = arith.mulf %squeeze3A_244, %mul3A_248 : vector<128x325xf32>
    %add3A_250 = arith.addf %add3A_218, %mul3A_249 : vector<128x325xf32>
    %get3A_251 = arith.constant 1 : index
    %get3A_252 = arith.constant 7 : index
    %get3A_253 = memref.load %arg5[%get3A_251, %get3A_252] : memref<5x32xf32, #tpu.memory_space<smem>>
    %mul3A_254 = vector.broadcast %get3A_253 : f32 to vector<128x325xf32>
    %mul3A_255 = arith.mulf %squeeze3A_244, %mul3A_254 : vector<128x325xf32>
    %add3A_256 = arith.addf %add3A_224, %mul3A_255 : vector<128x325xf32>
    %get3A_257 = arith.constant 2 : index
    %get3A_258 = arith.constant 7 : index
    %get3A_259 = memref.load %arg5[%get3A_257, %get3A_258] : memref<5x32xf32, #tpu.memory_space<smem>>
    %mul3A_260 = vector.broadcast %get3A_259 : f32 to vector<128x325xf32>
    %mul3A_261 = arith.mulf %squeeze3A_244, %mul3A_260 : vector<128x325xf32>
    %add3A_262 = arith.addf %add3A_230, %mul3A_261 : vector<128x325xf32>
    %get3A_263 = arith.constant 3 : index
    %get3A_264 = arith.constant 7 : index
    %get3A_265 = memref.load %arg5[%get3A_263, %get3A_264] : memref<5x32xf32, #tpu.memory_space<smem>>
    %mul3A_266 = vector.broadcast %get3A_265 : f32 to vector<128x325xf32>
    %mul3A_267 = arith.mulf %squeeze3A_244, %mul3A_266 : vector<128x325xf32>
    %add3A_268 = arith.addf %add3A_236, %mul3A_267 : vector<128x325xf32>
    %get3A_269 = arith.constant 4 : index
    %get3A_270 = arith.constant 7 : index
    %get3A_271 = memref.load %arg5[%get3A_269, %get3A_270] : memref<5x32xf32, #tpu.memory_space<smem>>
    %mul3A_272 = vector.broadcast %get3A_271 : f32 to vector<128x325xf32>
    %mul3A_273 = arith.mulf %squeeze3A_244, %mul3A_272 : vector<128x325xf32>
    %add3A_274 = arith.addf %add3A_242, %mul3A_273 : vector<128x325xf32>
    %slice3A_275 = vector.extract_strided_slice %reshape3A_12 {offsets = [8, 0, 0], sizes = [1, 128, 325], strides = [1, 1, 1]} : vector<32x128x325xf32> to vector<1x128x325xf32>
    %squeeze3A_276 = vector.shape_cast %slice3A_275 : vector<1x128x325xf32> to vector<128x325xf32>
    %get3A_277 = arith.constant 0 : index
    %get3A_278 = arith.constant 8 : index
    %get3A_279 = memref.load %arg5[%get3A_277, %get3A_278] : memref<5x32xf32, #tpu.memory_space<smem>>
    %mul3A_280 = vector.broadcast %get3A_279 : f32 to vector<128x325xf32>
    %mul3A_281 = arith.mulf %squeeze3A_276, %mul3A_280 : vector<128x325xf32>
    %add3A_282 = arith.addf %add3A_250, %mul3A_281 : vector<128x325xf32>
    %get3A_283 = arith.constant 1 : index
    %get3A_284 = arith.constant 8 : index
    %get3A_285 = memref.load %arg5[%get3A_283, %get3A_284] : memref<5x32xf32, #tpu.memory_space<smem>>
    %mul3A_286 = vector.broadcast %get3A_285 : f32 to vector<128x325xf32>
    %mul3A_287 = arith.mulf %squeeze3A_276, %mul3A_286 : vector<128x325xf32>
    %add3A_288 = arith.addf %add3A_256, %mul3A_287 : vector<128x325xf32>
    %get3A_289 = arith.constant 2 : index
    %get3A_290 = arith.constant 8 : index
    %get3A_291 = memref.load %arg5[%get3A_289, %get3A_290] : memref<5x32xf32, #tpu.memory_space<smem>>
    %mul3A_292 = vector.broadcast %get3A_291 : f32 to vector<128x325xf32>
    %mul3A_293 = arith.mulf %squeeze3A_276, %mul3A_292 : vector<128x325xf32>
    %add3A_294 = arith.addf %add3A_262, %mul3A_293 : vector<128x325xf32>
    %get3A_295 = arith.constant 3 : index
    %get3A_296 = arith.constant 8 : index
    %get3A_297 = memref.load %arg5[%get3A_295, %get3A_296] : memref<5x32xf32, #tpu.memory_space<smem>>
    %mul3A_298 = vector.broadcast %get3A_297 : f32 to vector<128x325xf32>
    %mul3A_299 = arith.mulf %squeeze3A_276, %mul3A_298 : vector<128x325xf32>
    %add3A_300 = arith.addf %add3A_268, %mul3A_299 : vector<128x325xf32>
    %get3A_301 = arith.constant 4 : index
    %get3A_302 = arith.constant 8 : index
    %get3A_303 = memref.load %arg5[%get3A_301, %get3A_302] : memref<5x32xf32, #tpu.memory_space<smem>>
    %mul3A_304 = vector.broadcast %get3A_303 : f32 to vector<128x325xf32>
    %mul3A_305 = arith.mulf %squeeze3A_276, %mul3A_304 : vector<128x325xf32>
    %add3A_306 = arith.addf %add3A_274, %mul3A_305 : vector<128x325xf32>
    %slice3A_307 = vector.extract_strided_slice %reshape3A_12 {offsets = [9, 0, 0], sizes = [1, 128, 325], strides = [1, 1, 1]} : vector<32x128x325xf32> to vector<1x128x325xf32>
    %squeeze3A_308 = vector.shape_cast %slice3A_307 : vector<1x128x325xf32> to vector<128x325xf32>
    %get3A_309 = arith.constant 0 : index
    %get3A_310 = arith.constant 9 : index
    %get3A_311 = memref.load %arg5[%get3A_309, %get3A_310] : memref<5x32xf32, #tpu.memory_space<smem>>
    %mul3A_312 = vector.broadcast %get3A_311 : f32 to vector<128x325xf32>
    %mul3A_313 = arith.mulf %squeeze3A_308, %mul3A_312 : vector<128x325xf32>
    %add3A_314 = arith.addf %add3A_282, %mul3A_313 : vector<128x325xf32>
    %get3A_315 = arith.constant 1 : index
    %get3A_316 = arith.constant 9 : index
    %get3A_317 = memref.load %arg5[%get3A_315, %get3A_316] : memref<5x32xf32, #tpu.memory_space<smem>>
    %mul3A_318 = vector.broadcast %get3A_317 : f32 to vector<128x325xf32>
    %mul3A_319 = arith.mulf %squeeze3A_308, %mul3A_318 : vector<128x325xf32>
    %add3A_320 = arith.addf %add3A_288, %mul3A_319 : vector<128x325xf32>
    %get3A_321 = arith.constant 2 : index
    %get3A_322 = arith.constant 9 : index
    %get3A_323 = memref.load %arg5[%get3A_321, %get3A_322] : memref<5x32xf32, #tpu.memory_space<smem>>
    %mul3A_324 = vector.broadcast %get3A_323 : f32 to vector<128x325xf32>
    %mul3A_325 = arith.mulf %squeeze3A_308, %mul3A_324 : vector<128x325xf32>
    %add3A_326 = arith.addf %add3A_294, %mul3A_325 : vector<128x325xf32>
    %get3A_327 = arith.constant 3 : index
    %get3A_328 = arith.constant 9 : index
    %get3A_329 = memref.load %arg5[%get3A_327, %get3A_328] : memref<5x32xf32, #tpu.memory_space<smem>>
    %mul3A_330 = vector.broadcast %get3A_329 : f32 to vector<128x325xf32>
    %mul3A_331 = arith.mulf %squeeze3A_308, %mul3A_330 : vector<128x325xf32>
    %add3A_332 = arith.addf %add3A_300, %mul3A_331 : vector<128x325xf32>
    %get3A_333 = arith.constant 4 : index
    %get3A_334 = arith.constant 9 : index
    %get3A_335 = memref.load %arg5[%get3A_333, %get3A_334] : memref<5x32xf32, #tpu.memory_space<smem>>
    %mul3A_336 = vector.broadcast %get3A_335 : f32 to vector<128x325xf32>
    %mul3A_337 = arith.mulf %squeeze3A_308, %mul3A_336 : vector<128x325xf32>
    %add3A_338 = arith.addf %add3A_306, %mul3A_337 : vector<128x325xf32>
    %slice3A_339 = vector.extract_strided_slice %reshape3A_12 {offsets = [10, 0, 0], sizes = [1, 128, 325], strides = [1, 1, 1]} : vector<32x128x325xf32> to vector<1x128x325xf32>
    %squeeze3A_340 = vector.shape_cast %slice3A_339 : vector<1x128x325xf32> to vector<128x325xf32>
    %get3A_341 = arith.constant 0 : index
    %get3A_342 = arith.constant 10 : index
    %get3A_343 = memref.load %arg5[%get3A_341, %get3A_342] : memref<5x32xf32, #tpu.memory_space<smem>>
    %mul3A_344 = vector.broadcast %get3A_343 : f32 to vector<128x325xf32>
    %mul3A_345 = arith.mulf %squeeze3A_340, %mul3A_344 : vector<128x325xf32>
    %add3A_346 = arith.addf %add3A_314, %mul3A_345 : vector<128x325xf32>
    %get3A_347 = arith.constant 1 : index
    %get3A_348 = arith.constant 10 : index
    %get3A_349 = memref.load %arg5[%get3A_347, %get3A_348] : memref<5x32xf32, #tpu.memory_space<smem>>
    %mul3A_350 = vector.broadcast %get3A_349 : f32 to vector<128x325xf32>
    %mul3A_351 = arith.mulf %squeeze3A_340, %mul3A_350 : vector<128x325xf32>
    %add3A_352 = arith.addf %add3A_320, %mul3A_351 : vector<128x325xf32>
    %get3A_353 = arith.constant 2 : index
    %get3A_354 = arith.constant 10 : index
    %get3A_355 = memref.load %arg5[%get3A_353, %get3A_354] : memref<5x32xf32, #tpu.memory_space<smem>>
    %mul3A_356 = vector.broadcast %get3A_355 : f32 to vector<128x325xf32>
    %mul3A_357 = arith.mulf %squeeze3A_340, %mul3A_356 : vector<128x325xf32>
    %add3A_358 = arith.addf %add3A_326, %mul3A_357 : vector<128x325xf32>
    %get3A_359 = arith.constant 3 : index
    %get3A_360 = arith.constant 10 : index
    %get3A_361 = memref.load %arg5[%get3A_359, %get3A_360] : memref<5x32xf32, #tpu.memory_space<smem>>
    %mul3A_362 = vector.broadcast %get3A_361 : f32 to vector<128x325xf32>
    %mul3A_363 = arith.mulf %squeeze3A_340, %mul3A_362 : vector<128x325xf32>
    %add3A_364 = arith.addf %add3A_332, %mul3A_363 : vector<128x325xf32>
    %get3A_365 = arith.constant 4 : index
    %get3A_366 = arith.constant 10 : index
    %get3A_367 = memref.load %arg5[%get3A_365, %get3A_366] : memref<5x32xf32, #tpu.memory_space<smem>>
    %mul3A_368 = vector.broadcast %get3A_367 : f32 to vector<128x325xf32>
    %mul3A_369 = arith.mulf %squeeze3A_340, %mul3A_368 : vector<128x325xf32>
    %add3A_370 = arith.addf %add3A_338, %mul3A_369 : vector<128x325xf32>
    %slice3A_371 = vector.extract_strided_slice %reshape3A_12 {offsets = [11, 0, 0], sizes = [1, 128, 325], strides = [1, 1, 1]} : vector<32x128x325xf32> to vector<1x128x325xf32>
    %squeeze3A_372 = vector.shape_cast %slice3A_371 : vector<1x128x325xf32> to vector<128x325xf32>
    %get3A_373 = arith.constant 0 : index
    %get3A_374 = arith.constant 11 : index
    %get3A_375 = memref.load %arg5[%get3A_373, %get3A_374] : memref<5x32xf32, #tpu.memory_space<smem>>
    %mul3A_376 = vector.broadcast %get3A_375 : f32 to vector<128x325xf32>
    %mul3A_377 = arith.mulf %squeeze3A_372, %mul3A_376 : vector<128x325xf32>
    %add3A_378 = arith.addf %add3A_346, %mul3A_377 : vector<128x325xf32>
    %get3A_379 = arith.constant 1 : index
    %get3A_380 = arith.constant 11 : index
    %get3A_381 = memref.load %arg5[%get3A_379, %get3A_380] : memref<5x32xf32, #tpu.memory_space<smem>>
    %mul3A_382 = vector.broadcast %get3A_381 : f32 to vector<128x325xf32>
    %mul3A_383 = arith.mulf %squeeze3A_372, %mul3A_382 : vector<128x325xf32>
    %add3A_384 = arith.addf %add3A_352, %mul3A_383 : vector<128x325xf32>
    %get3A_385 = arith.constant 2 : index
    %get3A_386 = arith.constant 11 : index
    %get3A_387 = memref.load %arg5[%get3A_385, %get3A_386] : memref<5x32xf32, #tpu.memory_space<smem>>
    %mul3A_388 = vector.broadcast %get3A_387 : f32 to vector<128x325xf32>
    %mul3A_389 = arith.mulf %squeeze3A_372, %mul3A_388 : vector<128x325xf32>
    %add3A_390 = arith.addf %add3A_358, %mul3A_389 : vector<128x325xf32>
    %get3A_391 = arith.constant 3 : index
    %get3A_392 = arith.constant 11 : index
    %get3A_393 = memref.load %arg5[%get3A_391, %get3A_392] : memref<5x32xf32, #tpu.memory_space<smem>>
    %mul3A_394 = vector.broadcast %get3A_393 : f32 to vector<128x325xf32>
    %mul3A_395 = arith.mulf %squeeze3A_372, %mul3A_394 : vector<128x325xf32>
    %add3A_396 = arith.addf %add3A_364, %mul3A_395 : vector<128x325xf32>
    %get3A_397 = arith.constant 4 : index
    %get3A_398 = arith.constant 11 : index
    %get3A_399 = memref.load %arg5[%get3A_397, %get3A_398] : memref<5x32xf32, #tpu.memory_space<smem>>
    %mul3A_400 = vector.broadcast %get3A_399 : f32 to vector<128x325xf32>
    %mul3A_401 = arith.mulf %squeeze3A_372, %mul3A_400 : vector<128x325xf32>
    %add3A_402 = arith.addf %add3A_370, %mul3A_401 : vector<128x325xf32>
    %slice3A_403 = vector.extract_strided_slice %reshape3A_12 {offsets = [12, 0, 0], sizes = [1, 128, 325], strides = [1, 1, 1]} : vector<32x128x325xf32> to vector<1x128x325xf32>
    %squeeze3A_404 = vector.shape_cast %slice3A_403 : vector<1x128x325xf32> to vector<128x325xf32>
    %get3A_405 = arith.constant 0 : index
    %get3A_406 = arith.constant 12 : index
    %get3A_407 = memref.load %arg5[%get3A_405, %get3A_406] : memref<5x32xf32, #tpu.memory_space<smem>>
    %mul3A_408 = vector.broadcast %get3A_407 : f32 to vector<128x325xf32>
    %mul3A_409 = arith.mulf %squeeze3A_404, %mul3A_408 : vector<128x325xf32>
    %add3A_410 = arith.addf %add3A_378, %mul3A_409 : vector<128x325xf32>
    %get3A_411 = arith.constant 1 : index
    %get3A_412 = arith.constant 12 : index
    %get3A_413 = memref.load %arg5[%get3A_411, %get3A_412] : memref<5x32xf32, #tpu.memory_space<smem>>
    %mul3A_414 = vector.broadcast %get3A_413 : f32 to vector<128x325xf32>
    %mul3A_415 = arith.mulf %squeeze3A_404, %mul3A_414 : vector<128x325xf32>
    %add3A_416 = arith.addf %add3A_384, %mul3A_415 : vector<128x325xf32>
    %get3A_417 = arith.constant 2 : index
    %get3A_418 = arith.constant 12 : index
    %get3A_419 = memref.load %arg5[%get3A_417, %get3A_418] : memref<5x32xf32, #tpu.memory_space<smem>>
    %mul3A_420 = vector.broadcast %get3A_419 : f32 to vector<128x325xf32>
    %mul3A_421 = arith.mulf %squeeze3A_404, %mul3A_420 : vector<128x325xf32>
    %add3A_422 = arith.addf %add3A_390, %mul3A_421 : vector<128x325xf32>
    %get3A_423 = arith.constant 3 : index
    %get3A_424 = arith.constant 12 : index
    %get3A_425 = memref.load %arg5[%get3A_423, %get3A_424] : memref<5x32xf32, #tpu.memory_space<smem>>
    %mul3A_426 = vector.broadcast %get3A_425 : f32 to vector<128x325xf32>
    %mul3A_427 = arith.mulf %squeeze3A_404, %mul3A_426 : vector<128x325xf32>
    %add3A_428 = arith.addf %add3A_396, %mul3A_427 : vector<128x325xf32>
    %get3A_429 = arith.constant 4 : index
    %get3A_430 = arith.constant 12 : index
    %get3A_431 = memref.load %arg5[%get3A_429, %get3A_430] : memref<5x32xf32, #tpu.memory_space<smem>>
    %mul3A_432 = vector.broadcast %get3A_431 : f32 to vector<128x325xf32>
    %mul3A_433 = arith.mulf %squeeze3A_404, %mul3A_432 : vector<128x325xf32>
    %add3A_434 = arith.addf %add3A_402, %mul3A_433 : vector<128x325xf32>
    %slice3A_435 = vector.extract_strided_slice %reshape3A_12 {offsets = [13, 0, 0], sizes = [1, 128, 325], strides = [1, 1, 1]} : vector<32x128x325xf32> to vector<1x128x325xf32>
    %squeeze3A_436 = vector.shape_cast %slice3A_435 : vector<1x128x325xf32> to vector<128x325xf32>
    %get3A_437 = arith.constant 0 : index
    %get3A_438 = arith.constant 13 : index
    %get3A_439 = memref.load %arg5[%get3A_437, %get3A_438] : memref<5x32xf32, #tpu.memory_space<smem>>
    %mul3A_440 = vector.broadcast %get3A_439 : f32 to vector<128x325xf32>
    %mul3A_441 = arith.mulf %squeeze3A_436, %mul3A_440 : vector<128x325xf32>
    %add3A_442 = arith.addf %add3A_410, %mul3A_441 : vector<128x325xf32>
    %get3A_443 = arith.constant 1 : index
    %get3A_444 = arith.constant 13 : index
    %get3A_445 = memref.load %arg5[%get3A_443, %get3A_444] : memref<5x32xf32, #tpu.memory_space<smem>>
    %mul3A_446 = vector.broadcast %get3A_445 : f32 to vector<128x325xf32>
    %mul3A_447 = arith.mulf %squeeze3A_436, %mul3A_446 : vector<128x325xf32>
    %add3A_448 = arith.addf %add3A_416, %mul3A_447 : vector<128x325xf32>
    %get3A_449 = arith.constant 2 : index
    %get3A_450 = arith.constant 13 : index
    %get3A_451 = memref.load %arg5[%get3A_449, %get3A_450] : memref<5x32xf32, #tpu.memory_space<smem>>
    %mul3A_452 = vector.broadcast %get3A_451 : f32 to vector<128x325xf32>
    %mul3A_453 = arith.mulf %squeeze3A_436, %mul3A_452 : vector<128x325xf32>
    %add3A_454 = arith.addf %add3A_422, %mul3A_453 : vector<128x325xf32>
    %get3A_455 = arith.constant 3 : index
    %get3A_456 = arith.constant 13 : index
    %get3A_457 = memref.load %arg5[%get3A_455, %get3A_456] : memref<5x32xf32, #tpu.memory_space<smem>>
    %mul3A_458 = vector.broadcast %get3A_457 : f32 to vector<128x325xf32>
    %mul3A_459 = arith.mulf %squeeze3A_436, %mul3A_458 : vector<128x325xf32>
    %add3A_460 = arith.addf %add3A_428, %mul3A_459 : vector<128x325xf32>
    %get3A_461 = arith.constant 4 : index
    %get3A_462 = arith.constant 13 : index
    %get3A_463 = memref.load %arg5[%get3A_461, %get3A_462] : memref<5x32xf32, #tpu.memory_space<smem>>
    %mul3A_464 = vector.broadcast %get3A_463 : f32 to vector<128x325xf32>
    %mul3A_465 = arith.mulf %squeeze3A_436, %mul3A_464 : vector<128x325xf32>
    %add3A_466 = arith.addf %add3A_434, %mul3A_465 : vector<128x325xf32>
    %slice3A_467 = vector.extract_strided_slice %reshape3A_12 {offsets = [14, 0, 0], sizes = [1, 128, 325], strides = [1, 1, 1]} : vector<32x128x325xf32> to vector<1x128x325xf32>
    %squeeze3A_468 = vector.shape_cast %slice3A_467 : vector<1x128x325xf32> to vector<128x325xf32>
    %get3A_469 = arith.constant 0 : index
    %get3A_470 = arith.constant 14 : index
    %get3A_471 = memref.load %arg5[%get3A_469, %get3A_470] : memref<5x32xf32, #tpu.memory_space<smem>>
    %mul3A_472 = vector.broadcast %get3A_471 : f32 to vector<128x325xf32>
    %mul3A_473 = arith.mulf %squeeze3A_468, %mul3A_472 : vector<128x325xf32>
    %add3A_474 = arith.addf %add3A_442, %mul3A_473 : vector<128x325xf32>
    %get3A_475 = arith.constant 1 : index
    %get3A_476 = arith.constant 14 : index
    %get3A_477 = memref.load %arg5[%get3A_475, %get3A_476] : memref<5x32xf32, #tpu.memory_space<smem>>
    %mul3A_478 = vector.broadcast %get3A_477 : f32 to vector<128x325xf32>
    %mul3A_479 = arith.mulf %squeeze3A_468, %mul3A_478 : vector<128x325xf32>
    %add3A_480 = arith.addf %add3A_448, %mul3A_479 : vector<128x325xf32>
    %get3A_481 = arith.constant 2 : index
    %get3A_482 = arith.constant 14 : index
    %get3A_483 = memref.load %arg5[%get3A_481, %get3A_482] : memref<5x32xf32, #tpu.memory_space<smem>>
    %mul3A_484 = vector.broadcast %get3A_483 : f32 to vector<128x325xf32>
    %mul3A_485 = arith.mulf %squeeze3A_468, %mul3A_484 : vector<128x325xf32>
    %add3A_486 = arith.addf %add3A_454, %mul3A_485 : vector<128x325xf32>
    %get3A_487 = arith.constant 3 : index
    %get3A_488 = arith.constant 14 : index
    %get3A_489 = memref.load %arg5[%get3A_487, %get3A_488] : memref<5x32xf32, #tpu.memory_space<smem>>
    %mul3A_490 = vector.broadcast %get3A_489 : f32 to vector<128x325xf32>
    %mul3A_491 = arith.mulf %squeeze3A_468, %mul3A_490 : vector<128x325xf32>
    %add3A_492 = arith.addf %add3A_460, %mul3A_491 : vector<128x325xf32>
    %get3A_493 = arith.constant 4 : index
    %get3A_494 = arith.constant 14 : index
    %get3A_495 = memref.load %arg5[%get3A_493, %get3A_494] : memref<5x32xf32, #tpu.memory_space<smem>>
    %mul3A_496 = vector.broadcast %get3A_495 : f32 to vector<128x325xf32>
    %mul3A_497 = arith.mulf %squeeze3A_468, %mul3A_496 : vector<128x325xf32>
    %add3A_498 = arith.addf %add3A_466, %mul3A_497 : vector<128x325xf32>
    %slice3A_499 = vector.extract_strided_slice %reshape3A_12 {offsets = [15, 0, 0], sizes = [1, 128, 325], strides = [1, 1, 1]} : vector<32x128x325xf32> to vector<1x128x325xf32>
    %squeeze3A_500 = vector.shape_cast %slice3A_499 : vector<1x128x325xf32> to vector<128x325xf32>
    %get3A_501 = arith.constant 0 : index
    %get3A_502 = arith.constant 15 : index
    %get3A_503 = memref.load %arg5[%get3A_501, %get3A_502] : memref<5x32xf32, #tpu.memory_space<smem>>
    %mul3A_504 = vector.broadcast %get3A_503 : f32 to vector<128x325xf32>
    %mul3A_505 = arith.mulf %squeeze3A_500, %mul3A_504 : vector<128x325xf32>
    %add3A_506 = arith.addf %add3A_474, %mul3A_505 : vector<128x325xf32>
    %get3A_507 = arith.constant 1 : index
    %get3A_508 = arith.constant 15 : index
    %get3A_509 = memref.load %arg5[%get3A_507, %get3A_508] : memref<5x32xf32, #tpu.memory_space<smem>>
    %mul3A_510 = vector.broadcast %get3A_509 : f32 to vector<128x325xf32>
    %mul3A_511 = arith.mulf %squeeze3A_500, %mul3A_510 : vector<128x325xf32>
    %add3A_512 = arith.addf %add3A_480, %mul3A_511 : vector<128x325xf32>
    %get3A_513 = arith.constant 2 : index
    %get3A_514 = arith.constant 15 : index
    %get3A_515 = memref.load %arg5[%get3A_513, %get3A_514] : memref<5x32xf32, #tpu.memory_space<smem>>
    %mul3A_516 = vector.broadcast %get3A_515 : f32 to vector<128x325xf32>
    %mul3A_517 = arith.mulf %squeeze3A_500, %mul3A_516 : vector<128x325xf32>
    %add3A_518 = arith.addf %add3A_486, %mul3A_517 : vector<128x325xf32>
    %get3A_519 = arith.constant 3 : index
    %get3A_520 = arith.constant 15 : index
    %get3A_521 = memref.load %arg5[%get3A_519, %get3A_520] : memref<5x32xf32, #tpu.memory_space<smem>>
    %mul3A_522 = vector.broadcast %get3A_521 : f32 to vector<128x325xf32>
    %mul3A_523 = arith.mulf %squeeze3A_500, %mul3A_522 : vector<128x325xf32>
    %add3A_524 = arith.addf %add3A_492, %mul3A_523 : vector<128x325xf32>
    %get3A_525 = arith.constant 4 : index
    %get3A_526 = arith.constant 15 : index
    %get3A_527 = memref.load %arg5[%get3A_525, %get3A_526] : memref<5x32xf32, #tpu.memory_space<smem>>
    %mul3A_528 = vector.broadcast %get3A_527 : f32 to vector<128x325xf32>
    %mul3A_529 = arith.mulf %squeeze3A_500, %mul3A_528 : vector<128x325xf32>
    %add3A_530 = arith.addf %add3A_498, %mul3A_529 : vector<128x325xf32>
    %slice3A_531 = vector.extract_strided_slice %reshape3A_12 {offsets = [16, 0, 0], sizes = [1, 128, 325], strides = [1, 1, 1]} : vector<32x128x325xf32> to vector<1x128x325xf32>
    %squeeze3A_532 = vector.shape_cast %slice3A_531 : vector<1x128x325xf32> to vector<128x325xf32>
    %get3A_533 = arith.constant 0 : index
    %get3A_534 = arith.constant 16 : index
    %get3A_535 = memref.load %arg5[%get3A_533, %get3A_534] : memref<5x32xf32, #tpu.memory_space<smem>>
    %mul3A_536 = vector.broadcast %get3A_535 : f32 to vector<128x325xf32>
    %mul3A_537 = arith.mulf %squeeze3A_532, %mul3A_536 : vector<128x325xf32>
    %add3A_538 = arith.addf %add3A_506, %mul3A_537 : vector<128x325xf32>
    %get3A_539 = arith.constant 1 : index
    %get3A_540 = arith.constant 16 : index
    %get3A_541 = memref.load %arg5[%get3A_539, %get3A_540] : memref<5x32xf32, #tpu.memory_space<smem>>
    %mul3A_542 = vector.broadcast %get3A_541 : f32 to vector<128x325xf32>
    %mul3A_543 = arith.mulf %squeeze3A_532, %mul3A_542 : vector<128x325xf32>
    %add3A_544 = arith.addf %add3A_512, %mul3A_543 : vector<128x325xf32>
    %get3A_545 = arith.constant 2 : index
    %get3A_546 = arith.constant 16 : index
    %get3A_547 = memref.load %arg5[%get3A_545, %get3A_546] : memref<5x32xf32, #tpu.memory_space<smem>>
    %mul3A_548 = vector.broadcast %get3A_547 : f32 to vector<128x325xf32>
    %mul3A_549 = arith.mulf %squeeze3A_532, %mul3A_548 : vector<128x325xf32>
    %add3A_550 = arith.addf %add3A_518, %mul3A_549 : vector<128x325xf32>
    %get3A_551 = arith.constant 3 : index
    %get3A_552 = arith.constant 16 : index
    %get3A_553 = memref.load %arg5[%get3A_551, %get3A_552] : memref<5x32xf32, #tpu.memory_space<smem>>
    %mul3A_554 = vector.broadcast %get3A_553 : f32 to vector<128x325xf32>
    %mul3A_555 = arith.mulf %squeeze3A_532, %mul3A_554 : vector<128x325xf32>
    %add3A_556 = arith.addf %add3A_524, %mul3A_555 : vector<128x325xf32>
    %get3A_557 = arith.constant 4 : index
    %get3A_558 = arith.constant 16 : index
    %get3A_559 = memref.load %arg5[%get3A_557, %get3A_558] : memref<5x32xf32, #tpu.memory_space<smem>>
    %mul3A_560 = vector.broadcast %get3A_559 : f32 to vector<128x325xf32>
    %mul3A_561 = arith.mulf %squeeze3A_532, %mul3A_560 : vector<128x325xf32>
    %add3A_562 = arith.addf %add3A_530, %mul3A_561 : vector<128x325xf32>
    %slice3A_563 = vector.extract_strided_slice %reshape3A_12 {offsets = [17, 0, 0], sizes = [1, 128, 325], strides = [1, 1, 1]} : vector<32x128x325xf32> to vector<1x128x325xf32>
    %squeeze3A_564 = vector.shape_cast %slice3A_563 : vector<1x128x325xf32> to vector<128x325xf32>
    %get3A_565 = arith.constant 0 : index
    %get3A_566 = arith.constant 17 : index
    %get3A_567 = memref.load %arg5[%get3A_565, %get3A_566] : memref<5x32xf32, #tpu.memory_space<smem>>
    %mul3A_568 = vector.broadcast %get3A_567 : f32 to vector<128x325xf32>
    %mul3A_569 = arith.mulf %squeeze3A_564, %mul3A_568 : vector<128x325xf32>
    %add3A_570 = arith.addf %add3A_538, %mul3A_569 : vector<128x325xf32>
    %get3A_571 = arith.constant 1 : index
    %get3A_572 = arith.constant 17 : index
    %get3A_573 = memref.load %arg5[%get3A_571, %get3A_572] : memref<5x32xf32, #tpu.memory_space<smem>>
    %mul3A_574 = vector.broadcast %get3A_573 : f32 to vector<128x325xf32>
    %mul3A_575 = arith.mulf %squeeze3A_564, %mul3A_574 : vector<128x325xf32>
    %add3A_576 = arith.addf %add3A_544, %mul3A_575 : vector<128x325xf32>
    %get3A_577 = arith.constant 2 : index
    %get3A_578 = arith.constant 17 : index
    %get3A_579 = memref.load %arg5[%get3A_577, %get3A_578] : memref<5x32xf32, #tpu.memory_space<smem>>
    %mul3A_580 = vector.broadcast %get3A_579 : f32 to vector<128x325xf32>
    %mul3A_581 = arith.mulf %squeeze3A_564, %mul3A_580 : vector<128x325xf32>
    %add3A_582 = arith.addf %add3A_550, %mul3A_581 : vector<128x325xf32>
    %get3A_583 = arith.constant 3 : index
    %get3A_584 = arith.constant 17 : index
    %get3A_585 = memref.load %arg5[%get3A_583, %get3A_584] : memref<5x32xf32, #tpu.memory_space<smem>>
    %mul3A_586 = vector.broadcast %get3A_585 : f32 to vector<128x325xf32>
    %mul3A_587 = arith.mulf %squeeze3A_564, %mul3A_586 : vector<128x325xf32>
    %add3A_588 = arith.addf %add3A_556, %mul3A_587 : vector<128x325xf32>
    %get3A_589 = arith.constant 4 : index
    %get3A_590 = arith.constant 17 : index
    %get3A_591 = memref.load %arg5[%get3A_589, %get3A_590] : memref<5x32xf32, #tpu.memory_space<smem>>
    %mul3A_592 = vector.broadcast %get3A_591 : f32 to vector<128x325xf32>
    %mul3A_593 = arith.mulf %squeeze3A_564, %mul3A_592 : vector<128x325xf32>
    %add3A_594 = arith.addf %add3A_562, %mul3A_593 : vector<128x325xf32>
    %slice3A_595 = vector.extract_strided_slice %reshape3A_12 {offsets = [18, 0, 0], sizes = [1, 128, 325], strides = [1, 1, 1]} : vector<32x128x325xf32> to vector<1x128x325xf32>
    %squeeze3A_596 = vector.shape_cast %slice3A_595 : vector<1x128x325xf32> to vector<128x325xf32>
    %get3A_597 = arith.constant 0 : index
    %get3A_598 = arith.constant 18 : index
    %get3A_599 = memref.load %arg5[%get3A_597, %get3A_598] : memref<5x32xf32, #tpu.memory_space<smem>>
    %mul3A_600 = vector.broadcast %get3A_599 : f32 to vector<128x325xf32>
    %mul3A_601 = arith.mulf %squeeze3A_596, %mul3A_600 : vector<128x325xf32>
    %add3A_602 = arith.addf %add3A_570, %mul3A_601 : vector<128x325xf32>
    %get3A_603 = arith.constant 1 : index
    %get3A_604 = arith.constant 18 : index
    %get3A_605 = memref.load %arg5[%get3A_603, %get3A_604] : memref<5x32xf32, #tpu.memory_space<smem>>
    %mul3A_606 = vector.broadcast %get3A_605 : f32 to vector<128x325xf32>
    %mul3A_607 = arith.mulf %squeeze3A_596, %mul3A_606 : vector<128x325xf32>
    %add3A_608 = arith.addf %add3A_576, %mul3A_607 : vector<128x325xf32>
    %get3A_609 = arith.constant 2 : index
    %get3A_610 = arith.constant 18 : index
    %get3A_611 = memref.load %arg5[%get3A_609, %get3A_610] : memref<5x32xf32, #tpu.memory_space<smem>>
    %mul3A_612 = vector.broadcast %get3A_611 : f32 to vector<128x325xf32>
    %mul3A_613 = arith.mulf %squeeze3A_596, %mul3A_612 : vector<128x325xf32>
    %add3A_614 = arith.addf %add3A_582, %mul3A_613 : vector<128x325xf32>
    %get3A_615 = arith.constant 3 : index
    %get3A_616 = arith.constant 18 : index
    %get3A_617 = memref.load %arg5[%get3A_615, %get3A_616] : memref<5x32xf32, #tpu.memory_space<smem>>
    %mul3A_618 = vector.broadcast %get3A_617 : f32 to vector<128x325xf32>
    %mul3A_619 = arith.mulf %squeeze3A_596, %mul3A_618 : vector<128x325xf32>
    %add3A_620 = arith.addf %add3A_588, %mul3A_619 : vector<128x325xf32>
    %get3A_621 = arith.constant 4 : index
    %get3A_622 = arith.constant 18 : index
    %get3A_623 = memref.load %arg5[%get3A_621, %get3A_622] : memref<5x32xf32, #tpu.memory_space<smem>>
    %mul3A_624 = vector.broadcast %get3A_623 : f32 to vector<128x325xf32>
    %mul3A_625 = arith.mulf %squeeze3A_596, %mul3A_624 : vector<128x325xf32>
    %add3A_626 = arith.addf %add3A_594, %mul3A_625 : vector<128x325xf32>
    %slice3A_627 = vector.extract_strided_slice %reshape3A_12 {offsets = [19, 0, 0], sizes = [1, 128, 325], strides = [1, 1, 1]} : vector<32x128x325xf32> to vector<1x128x325xf32>
    %squeeze3A_628 = vector.shape_cast %slice3A_627 : vector<1x128x325xf32> to vector<128x325xf32>
    %get3A_629 = arith.constant 0 : index
    %get3A_630 = arith.constant 19 : index
    %get3A_631 = memref.load %arg5[%get3A_629, %get3A_630] : memref<5x32xf32, #tpu.memory_space<smem>>
    %mul3A_632 = vector.broadcast %get3A_631 : f32 to vector<128x325xf32>
    %mul3A_633 = arith.mulf %squeeze3A_628, %mul3A_632 : vector<128x325xf32>
    %add3A_634 = arith.addf %add3A_602, %mul3A_633 : vector<128x325xf32>
    %get3A_635 = arith.constant 1 : index
    %get3A_636 = arith.constant 19 : index
    %get3A_637 = memref.load %arg5[%get3A_635, %get3A_636] : memref<5x32xf32, #tpu.memory_space<smem>>
    %mul3A_638 = vector.broadcast %get3A_637 : f32 to vector<128x325xf32>
    %mul3A_639 = arith.mulf %squeeze3A_628, %mul3A_638 : vector<128x325xf32>
    %add3A_640 = arith.addf %add3A_608, %mul3A_639 : vector<128x325xf32>
    %get3A_641 = arith.constant 2 : index
    %get3A_642 = arith.constant 19 : index
    %get3A_643 = memref.load %arg5[%get3A_641, %get3A_642] : memref<5x32xf32, #tpu.memory_space<smem>>
    %mul3A_644 = vector.broadcast %get3A_643 : f32 to vector<128x325xf32>
    %mul3A_645 = arith.mulf %squeeze3A_628, %mul3A_644 : vector<128x325xf32>
    %add3A_646 = arith.addf %add3A_614, %mul3A_645 : vector<128x325xf32>
    %get3A_647 = arith.constant 3 : index
    %get3A_648 = arith.constant 19 : index
    %get3A_649 = memref.load %arg5[%get3A_647, %get3A_648] : memref<5x32xf32, #tpu.memory_space<smem>>
    %mul3A_650 = vector.broadcast %get3A_649 : f32 to vector<128x325xf32>
    %mul3A_651 = arith.mulf %squeeze3A_628, %mul3A_650 : vector<128x325xf32>
    %add3A_652 = arith.addf %add3A_620, %mul3A_651 : vector<128x325xf32>
    %get3A_653 = arith.constant 4 : index
    %get3A_654 = arith.constant 19 : index
    %get3A_655 = memref.load %arg5[%get3A_653, %get3A_654] : memref<5x32xf32, #tpu.memory_space<smem>>
    %mul3A_656 = vector.broadcast %get3A_655 : f32 to vector<128x325xf32>
    %mul3A_657 = arith.mulf %squeeze3A_628, %mul3A_656 : vector<128x325xf32>
    %add3A_658 = arith.addf %add3A_626, %mul3A_657 : vector<128x325xf32>
    %slice3A_659 = vector.extract_strided_slice %reshape3A_12 {offsets = [20, 0, 0], sizes = [1, 128, 325], strides = [1, 1, 1]} : vector<32x128x325xf32> to vector<1x128x325xf32>
    %squeeze3A_660 = vector.shape_cast %slice3A_659 : vector<1x128x325xf32> to vector<128x325xf32>
    %get3A_661 = arith.constant 0 : index
    %get3A_662 = arith.constant 20 : index
    %get3A_663 = memref.load %arg5[%get3A_661, %get3A_662] : memref<5x32xf32, #tpu.memory_space<smem>>
    %mul3A_664 = vector.broadcast %get3A_663 : f32 to vector<128x325xf32>
    %mul3A_665 = arith.mulf %squeeze3A_660, %mul3A_664 : vector<128x325xf32>
    %add3A_666 = arith.addf %add3A_634, %mul3A_665 : vector<128x325xf32>
    %get3A_667 = arith.constant 1 : index
    %get3A_668 = arith.constant 20 : index
    %get3A_669 = memref.load %arg5[%get3A_667, %get3A_668] : memref<5x32xf32, #tpu.memory_space<smem>>
    %mul3A_670 = vector.broadcast %get3A_669 : f32 to vector<128x325xf32>
    %mul3A_671 = arith.mulf %squeeze3A_660, %mul3A_670 : vector<128x325xf32>
    %add3A_672 = arith.addf %add3A_640, %mul3A_671 : vector<128x325xf32>
    %get3A_673 = arith.constant 2 : index
    %get3A_674 = arith.constant 20 : index
    %get3A_675 = memref.load %arg5[%get3A_673, %get3A_674] : memref<5x32xf32, #tpu.memory_space<smem>>
    %mul3A_676 = vector.broadcast %get3A_675 : f32 to vector<128x325xf32>
    %mul3A_677 = arith.mulf %squeeze3A_660, %mul3A_676 : vector<128x325xf32>
    %add3A_678 = arith.addf %add3A_646, %mul3A_677 : vector<128x325xf32>
    %get3A_679 = arith.constant 3 : index
    %get3A_680 = arith.constant 20 : index
    %get3A_681 = memref.load %arg5[%get3A_679, %get3A_680] : memref<5x32xf32, #tpu.memory_space<smem>>
    %mul3A_682 = vector.broadcast %get3A_681 : f32 to vector<128x325xf32>
    %mul3A_683 = arith.mulf %squeeze3A_660, %mul3A_682 : vector<128x325xf32>
    %add3A_684 = arith.addf %add3A_652, %mul3A_683 : vector<128x325xf32>
    %get3A_685 = arith.constant 4 : index
    %get3A_686 = arith.constant 20 : index
    %get3A_687 = memref.load %arg5[%get3A_685, %get3A_686] : memref<5x32xf32, #tpu.memory_space<smem>>
    %mul3A_688 = vector.broadcast %get3A_687 : f32 to vector<128x325xf32>
    %mul3A_689 = arith.mulf %squeeze3A_660, %mul3A_688 : vector<128x325xf32>
    %add3A_690 = arith.addf %add3A_658, %mul3A_689 : vector<128x325xf32>
    %slice3A_691 = vector.extract_strided_slice %reshape3A_12 {offsets = [21, 0, 0], sizes = [1, 128, 325], strides = [1, 1, 1]} : vector<32x128x325xf32> to vector<1x128x325xf32>
    %squeeze3A_692 = vector.shape_cast %slice3A_691 : vector<1x128x325xf32> to vector<128x325xf32>
    %get3A_693 = arith.constant 0 : index
    %get3A_694 = arith.constant 21 : index
    %get3A_695 = memref.load %arg5[%get3A_693, %get3A_694] : memref<5x32xf32, #tpu.memory_space<smem>>
    %mul3A_696 = vector.broadcast %get3A_695 : f32 to vector<128x325xf32>
    %mul3A_697 = arith.mulf %squeeze3A_692, %mul3A_696 : vector<128x325xf32>
    %add3A_698 = arith.addf %add3A_666, %mul3A_697 : vector<128x325xf32>
    %get3A_699 = arith.constant 1 : index
    %get3A_700 = arith.constant 21 : index
    %get3A_701 = memref.load %arg5[%get3A_699, %get3A_700] : memref<5x32xf32, #tpu.memory_space<smem>>
    %mul3A_702 = vector.broadcast %get3A_701 : f32 to vector<128x325xf32>
    %mul3A_703 = arith.mulf %squeeze3A_692, %mul3A_702 : vector<128x325xf32>
    %add3A_704 = arith.addf %add3A_672, %mul3A_703 : vector<128x325xf32>
    %get3A_705 = arith.constant 2 : index
    %get3A_706 = arith.constant 21 : index
    %get3A_707 = memref.load %arg5[%get3A_705, %get3A_706] : memref<5x32xf32, #tpu.memory_space<smem>>
    %mul3A_708 = vector.broadcast %get3A_707 : f32 to vector<128x325xf32>
    %mul3A_709 = arith.mulf %squeeze3A_692, %mul3A_708 : vector<128x325xf32>
    %add3A_710 = arith.addf %add3A_678, %mul3A_709 : vector<128x325xf32>
    %get3A_711 = arith.constant 3 : index
    %get3A_712 = arith.constant 21 : index
    %get3A_713 = memref.load %arg5[%get3A_711, %get3A_712] : memref<5x32xf32, #tpu.memory_space<smem>>
    %mul3A_714 = vector.broadcast %get3A_713 : f32 to vector<128x325xf32>
    %mul3A_715 = arith.mulf %squeeze3A_692, %mul3A_714 : vector<128x325xf32>
    %add3A_716 = arith.addf %add3A_684, %mul3A_715 : vector<128x325xf32>
    %get3A_717 = arith.constant 4 : index
    %get3A_718 = arith.constant 21 : index
    %get3A_719 = memref.load %arg5[%get3A_717, %get3A_718] : memref<5x32xf32, #tpu.memory_space<smem>>
    %mul3A_720 = vector.broadcast %get3A_719 : f32 to vector<128x325xf32>
    %mul3A_721 = arith.mulf %squeeze3A_692, %mul3A_720 : vector<128x325xf32>
    %add3A_722 = arith.addf %add3A_690, %mul3A_721 : vector<128x325xf32>
    %slice3A_723 = vector.extract_strided_slice %reshape3A_12 {offsets = [22, 0, 0], sizes = [1, 128, 325], strides = [1, 1, 1]} : vector<32x128x325xf32> to vector<1x128x325xf32>
    %squeeze3A_724 = vector.shape_cast %slice3A_723 : vector<1x128x325xf32> to vector<128x325xf32>
    %get3A_725 = arith.constant 0 : index
    %get3A_726 = arith.constant 22 : index
    %get3A_727 = memref.load %arg5[%get3A_725, %get3A_726] : memref<5x32xf32, #tpu.memory_space<smem>>
    %mul3A_728 = vector.broadcast %get3A_727 : f32 to vector<128x325xf32>
    %mul3A_729 = arith.mulf %squeeze3A_724, %mul3A_728 : vector<128x325xf32>
    %add3A_730 = arith.addf %add3A_698, %mul3A_729 : vector<128x325xf32>
    %get3A_731 = arith.constant 1 : index
    %get3A_732 = arith.constant 22 : index
    %get3A_733 = memref.load %arg5[%get3A_731, %get3A_732] : memref<5x32xf32, #tpu.memory_space<smem>>
    %mul3A_734 = vector.broadcast %get3A_733 : f32 to vector<128x325xf32>
    %mul3A_735 = arith.mulf %squeeze3A_724, %mul3A_734 : vector<128x325xf32>
    %add3A_736 = arith.addf %add3A_704, %mul3A_735 : vector<128x325xf32>
    %get3A_737 = arith.constant 2 : index
    %get3A_738 = arith.constant 22 : index
    %get3A_739 = memref.load %arg5[%get3A_737, %get3A_738] : memref<5x32xf32, #tpu.memory_space<smem>>
    %mul3A_740 = vector.broadcast %get3A_739 : f32 to vector<128x325xf32>
    %mul3A_741 = arith.mulf %squeeze3A_724, %mul3A_740 : vector<128x325xf32>
    %add3A_742 = arith.addf %add3A_710, %mul3A_741 : vector<128x325xf32>
    %get3A_743 = arith.constant 3 : index
    %get3A_744 = arith.constant 22 : index
    %get3A_745 = memref.load %arg5[%get3A_743, %get3A_744] : memref<5x32xf32, #tpu.memory_space<smem>>
    %mul3A_746 = vector.broadcast %get3A_745 : f32 to vector<128x325xf32>
    %mul3A_747 = arith.mulf %squeeze3A_724, %mul3A_746 : vector<128x325xf32>
    %add3A_748 = arith.addf %add3A_716, %mul3A_747 : vector<128x325xf32>
    %get3A_749 = arith.constant 4 : index
    %get3A_750 = arith.constant 22 : index
    %get3A_751 = memref.load %arg5[%get3A_749, %get3A_750] : memref<5x32xf32, #tpu.memory_space<smem>>
    %mul3A_752 = vector.broadcast %get3A_751 : f32 to vector<128x325xf32>
    %mul3A_753 = arith.mulf %squeeze3A_724, %mul3A_752 : vector<128x325xf32>
    %add3A_754 = arith.addf %add3A_722, %mul3A_753 : vector<128x325xf32>
    %slice3A_755 = vector.extract_strided_slice %reshape3A_12 {offsets = [23, 0, 0], sizes = [1, 128, 325], strides = [1, 1, 1]} : vector<32x128x325xf32> to vector<1x128x325xf32>
    %squeeze3A_756 = vector.shape_cast %slice3A_755 : vector<1x128x325xf32> to vector<128x325xf32>
    %get3A_757 = arith.constant 0 : index
    %get3A_758 = arith.constant 23 : index
    %get3A_759 = memref.load %arg5[%get3A_757, %get3A_758] : memref<5x32xf32, #tpu.memory_space<smem>>
    %mul3A_760 = vector.broadcast %get3A_759 : f32 to vector<128x325xf32>
    %mul3A_761 = arith.mulf %squeeze3A_756, %mul3A_760 : vector<128x325xf32>
    %add3A_762 = arith.addf %add3A_730, %mul3A_761 : vector<128x325xf32>
    %get3A_763 = arith.constant 1 : index
    %get3A_764 = arith.constant 23 : index
    %get3A_765 = memref.load %arg5[%get3A_763, %get3A_764] : memref<5x32xf32, #tpu.memory_space<smem>>
    %mul3A_766 = vector.broadcast %get3A_765 : f32 to vector<128x325xf32>
    %mul3A_767 = arith.mulf %squeeze3A_756, %mul3A_766 : vector<128x325xf32>
    %add3A_768 = arith.addf %add3A_736, %mul3A_767 : vector<128x325xf32>
    %get3A_769 = arith.constant 2 : index
    %get3A_770 = arith.constant 23 : index
    %get3A_771 = memref.load %arg5[%get3A_769, %get3A_770] : memref<5x32xf32, #tpu.memory_space<smem>>
    %mul3A_772 = vector.broadcast %get3A_771 : f32 to vector<128x325xf32>
    %mul3A_773 = arith.mulf %squeeze3A_756, %mul3A_772 : vector<128x325xf32>
    %add3A_774 = arith.addf %add3A_742, %mul3A_773 : vector<128x325xf32>
    %get3A_775 = arith.constant 3 : index
    %get3A_776 = arith.constant 23 : index
    %get3A_777 = memref.load %arg5[%get3A_775, %get3A_776] : memref<5x32xf32, #tpu.memory_space<smem>>
    %mul3A_778 = vector.broadcast %get3A_777 : f32 to vector<128x325xf32>
    %mul3A_779 = arith.mulf %squeeze3A_756, %mul3A_778 : vector<128x325xf32>
    %add3A_780 = arith.addf %add3A_748, %mul3A_779 : vector<128x325xf32>
    %get3A_781 = arith.constant 4 : index
    %get3A_782 = arith.constant 23 : index
    %get3A_783 = memref.load %arg5[%get3A_781, %get3A_782] : memref<5x32xf32, #tpu.memory_space<smem>>
    %mul3A_784 = vector.broadcast %get3A_783 : f32 to vector<128x325xf32>
    %mul3A_785 = arith.mulf %squeeze3A_756, %mul3A_784 : vector<128x325xf32>
    %add3A_786 = arith.addf %add3A_754, %mul3A_785 : vector<128x325xf32>
    %slice3A_787 = vector.extract_strided_slice %reshape3A_12 {offsets = [24, 0, 0], sizes = [1, 128, 325], strides = [1, 1, 1]} : vector<32x128x325xf32> to vector<1x128x325xf32>
    %squeeze3A_788 = vector.shape_cast %slice3A_787 : vector<1x128x325xf32> to vector<128x325xf32>
    %get3A_789 = arith.constant 0 : index
    %get3A_790 = arith.constant 24 : index
    %get3A_791 = memref.load %arg5[%get3A_789, %get3A_790] : memref<5x32xf32, #tpu.memory_space<smem>>
    %mul3A_792 = vector.broadcast %get3A_791 : f32 to vector<128x325xf32>
    %mul3A_793 = arith.mulf %squeeze3A_788, %mul3A_792 : vector<128x325xf32>
    %add3A_794 = arith.addf %add3A_762, %mul3A_793 : vector<128x325xf32>
    %get3A_795 = arith.constant 1 : index
    %get3A_796 = arith.constant 24 : index
    %get3A_797 = memref.load %arg5[%get3A_795, %get3A_796] : memref<5x32xf32, #tpu.memory_space<smem>>
    %mul3A_798 = vector.broadcast %get3A_797 : f32 to vector<128x325xf32>
    %mul3A_799 = arith.mulf %squeeze3A_788, %mul3A_798 : vector<128x325xf32>
    %add3A_800 = arith.addf %add3A_768, %mul3A_799 : vector<128x325xf32>
    %get3A_801 = arith.constant 2 : index
    %get3A_802 = arith.constant 24 : index
    %get3A_803 = memref.load %arg5[%get3A_801, %get3A_802] : memref<5x32xf32, #tpu.memory_space<smem>>
    %mul3A_804 = vector.broadcast %get3A_803 : f32 to vector<128x325xf32>
    %mul3A_805 = arith.mulf %squeeze3A_788, %mul3A_804 : vector<128x325xf32>
    %add3A_806 = arith.addf %add3A_774, %mul3A_805 : vector<128x325xf32>
    %get3A_807 = arith.constant 3 : index
    %get3A_808 = arith.constant 24 : index
    %get3A_809 = memref.load %arg5[%get3A_807, %get3A_808] : memref<5x32xf32, #tpu.memory_space<smem>>
    %mul3A_810 = vector.broadcast %get3A_809 : f32 to vector<128x325xf32>
    %mul3A_811 = arith.mulf %squeeze3A_788, %mul3A_810 : vector<128x325xf32>
    %add3A_812 = arith.addf %add3A_780, %mul3A_811 : vector<128x325xf32>
    %get3A_813 = arith.constant 4 : index
    %get3A_814 = arith.constant 24 : index
    %get3A_815 = memref.load %arg5[%get3A_813, %get3A_814] : memref<5x32xf32, #tpu.memory_space<smem>>
    %mul3A_816 = vector.broadcast %get3A_815 : f32 to vector<128x325xf32>
    %mul3A_817 = arith.mulf %squeeze3A_788, %mul3A_816 : vector<128x325xf32>
    %add3A_818 = arith.addf %add3A_786, %mul3A_817 : vector<128x325xf32>
    %slice3A_819 = vector.extract_strided_slice %reshape3A_12 {offsets = [25, 0, 0], sizes = [1, 128, 325], strides = [1, 1, 1]} : vector<32x128x325xf32> to vector<1x128x325xf32>
    %squeeze3A_820 = vector.shape_cast %slice3A_819 : vector<1x128x325xf32> to vector<128x325xf32>
    %get3A_821 = arith.constant 0 : index
    %get3A_822 = arith.constant 25 : index
    %get3A_823 = memref.load %arg5[%get3A_821, %get3A_822] : memref<5x32xf32, #tpu.memory_space<smem>>
    %mul3A_824 = vector.broadcast %get3A_823 : f32 to vector<128x325xf32>
    %mul3A_825 = arith.mulf %squeeze3A_820, %mul3A_824 : vector<128x325xf32>
    %add3A_826 = arith.addf %add3A_794, %mul3A_825 : vector<128x325xf32>
    %get3A_827 = arith.constant 1 : index
    %get3A_828 = arith.constant 25 : index
    %get3A_829 = memref.load %arg5[%get3A_827, %get3A_828] : memref<5x32xf32, #tpu.memory_space<smem>>
    %mul3A_830 = vector.broadcast %get3A_829 : f32 to vector<128x325xf32>
    %mul3A_831 = arith.mulf %squeeze3A_820, %mul3A_830 : vector<128x325xf32>
    %add3A_832 = arith.addf %add3A_800, %mul3A_831 : vector<128x325xf32>
    %get3A_833 = arith.constant 2 : index
    %get3A_834 = arith.constant 25 : index
    %get3A_835 = memref.load %arg5[%get3A_833, %get3A_834] : memref<5x32xf32, #tpu.memory_space<smem>>
    %mul3A_836 = vector.broadcast %get3A_835 : f32 to vector<128x325xf32>
    %mul3A_837 = arith.mulf %squeeze3A_820, %mul3A_836 : vector<128x325xf32>
    %add3A_838 = arith.addf %add3A_806, %mul3A_837 : vector<128x325xf32>
    %get3A_839 = arith.constant 3 : index
    %get3A_840 = arith.constant 25 : index
    %get3A_841 = memref.load %arg5[%get3A_839, %get3A_840] : memref<5x32xf32, #tpu.memory_space<smem>>
    %mul3A_842 = vector.broadcast %get3A_841 : f32 to vector<128x325xf32>
    %mul3A_843 = arith.mulf %squeeze3A_820, %mul3A_842 : vector<128x325xf32>
    %add3A_844 = arith.addf %add3A_812, %mul3A_843 : vector<128x325xf32>
    %get3A_845 = arith.constant 4 : index
    %get3A_846 = arith.constant 25 : index
    %get3A_847 = memref.load %arg5[%get3A_845, %get3A_846] : memref<5x32xf32, #tpu.memory_space<smem>>
    %mul3A_848 = vector.broadcast %get3A_847 : f32 to vector<128x325xf32>
    %mul3A_849 = arith.mulf %squeeze3A_820, %mul3A_848 : vector<128x325xf32>
    %add3A_850 = arith.addf %add3A_818, %mul3A_849 : vector<128x325xf32>
    %slice3A_851 = vector.extract_strided_slice %reshape3A_12 {offsets = [26, 0, 0], sizes = [1, 128, 325], strides = [1, 1, 1]} : vector<32x128x325xf32> to vector<1x128x325xf32>
    %squeeze3A_852 = vector.shape_cast %slice3A_851 : vector<1x128x325xf32> to vector<128x325xf32>
    %get3A_853 = arith.constant 0 : index
    %get3A_854 = arith.constant 26 : index
    %get3A_855 = memref.load %arg5[%get3A_853, %get3A_854] : memref<5x32xf32, #tpu.memory_space<smem>>
    %mul3A_856 = vector.broadcast %get3A_855 : f32 to vector<128x325xf32>
    %mul3A_857 = arith.mulf %squeeze3A_852, %mul3A_856 : vector<128x325xf32>
    %add3A_858 = arith.addf %add3A_826, %mul3A_857 : vector<128x325xf32>
    %get3A_859 = arith.constant 1 : index
    %get3A_860 = arith.constant 26 : index
    %get3A_861 = memref.load %arg5[%get3A_859, %get3A_860] : memref<5x32xf32, #tpu.memory_space<smem>>
    %mul3A_862 = vector.broadcast %get3A_861 : f32 to vector<128x325xf32>
    %mul3A_863 = arith.mulf %squeeze3A_852, %mul3A_862 : vector<128x325xf32>
    %add3A_864 = arith.addf %add3A_832, %mul3A_863 : vector<128x325xf32>
    %get3A_865 = arith.constant 2 : index
    %get3A_866 = arith.constant 26 : index
    %get3A_867 = memref.load %arg5[%get3A_865, %get3A_866] : memref<5x32xf32, #tpu.memory_space<smem>>
    %mul3A_868 = vector.broadcast %get3A_867 : f32 to vector<128x325xf32>
    %mul3A_869 = arith.mulf %squeeze3A_852, %mul3A_868 : vector<128x325xf32>
    %add3A_870 = arith.addf %add3A_838, %mul3A_869 : vector<128x325xf32>
    %get3A_871 = arith.constant 3 : index
    %get3A_872 = arith.constant 26 : index
    %get3A_873 = memref.load %arg5[%get3A_871, %get3A_872] : memref<5x32xf32, #tpu.memory_space<smem>>
    %mul3A_874 = vector.broadcast %get3A_873 : f32 to vector<128x325xf32>
    %mul3A_875 = arith.mulf %squeeze3A_852, %mul3A_874 : vector<128x325xf32>
    %add3A_876 = arith.addf %add3A_844, %mul3A_875 : vector<128x325xf32>
    %get3A_877 = arith.constant 4 : index
    %get3A_878 = arith.constant 26 : index
    %get3A_879 = memref.load %arg5[%get3A_877, %get3A_878] : memref<5x32xf32, #tpu.memory_space<smem>>
    %mul3A_880 = vector.broadcast %get3A_879 : f32 to vector<128x325xf32>
    %mul3A_881 = arith.mulf %squeeze3A_852, %mul3A_880 : vector<128x325xf32>
    %add3A_882 = arith.addf %add3A_850, %mul3A_881 : vector<128x325xf32>
    %slice3A_883 = vector.extract_strided_slice %reshape3A_12 {offsets = [27, 0, 0], sizes = [1, 128, 325], strides = [1, 1, 1]} : vector<32x128x325xf32> to vector<1x128x325xf32>
    %squeeze3A_884 = vector.shape_cast %slice3A_883 : vector<1x128x325xf32> to vector<128x325xf32>
    %get3A_885 = arith.constant 0 : index
    %get3A_886 = arith.constant 27 : index
    %get3A_887 = memref.load %arg5[%get3A_885, %get3A_886] : memref<5x32xf32, #tpu.memory_space<smem>>
    %mul3A_888 = vector.broadcast %get3A_887 : f32 to vector<128x325xf32>
    %mul3A_889 = arith.mulf %squeeze3A_884, %mul3A_888 : vector<128x325xf32>
    %add3A_890 = arith.addf %add3A_858, %mul3A_889 : vector<128x325xf32>
    %get3A_891 = arith.constant 1 : index
    %get3A_892 = arith.constant 27 : index
    %get3A_893 = memref.load %arg5[%get3A_891, %get3A_892] : memref<5x32xf32, #tpu.memory_space<smem>>
    %mul3A_894 = vector.broadcast %get3A_893 : f32 to vector<128x325xf32>
    %mul3A_895 = arith.mulf %squeeze3A_884, %mul3A_894 : vector<128x325xf32>
    %add3A_896 = arith.addf %add3A_864, %mul3A_895 : vector<128x325xf32>
    %get3A_897 = arith.constant 2 : index
    %get3A_898 = arith.constant 27 : index
    %get3A_899 = memref.load %arg5[%get3A_897, %get3A_898] : memref<5x32xf32, #tpu.memory_space<smem>>
    %mul3A_900 = vector.broadcast %get3A_899 : f32 to vector<128x325xf32>
    %mul3A_901 = arith.mulf %squeeze3A_884, %mul3A_900 : vector<128x325xf32>
    %add3A_902 = arith.addf %add3A_870, %mul3A_901 : vector<128x325xf32>
    %get3A_903 = arith.constant 3 : index
    %get3A_904 = arith.constant 27 : index
    %get3A_905 = memref.load %arg5[%get3A_903, %get3A_904] : memref<5x32xf32, #tpu.memory_space<smem>>
    %mul3A_906 = vector.broadcast %get3A_905 : f32 to vector<128x325xf32>
    %mul3A_907 = arith.mulf %squeeze3A_884, %mul3A_906 : vector<128x325xf32>
    %add3A_908 = arith.addf %add3A_876, %mul3A_907 : vector<128x325xf32>
    %get3A_909 = arith.constant 4 : index
    %get3A_910 = arith.constant 27 : index
    %get3A_911 = memref.load %arg5[%get3A_909, %get3A_910] : memref<5x32xf32, #tpu.memory_space<smem>>
    %mul3A_912 = vector.broadcast %get3A_911 : f32 to vector<128x325xf32>
    %mul3A_913 = arith.mulf %squeeze3A_884, %mul3A_912 : vector<128x325xf32>
    %add3A_914 = arith.addf %add3A_882, %mul3A_913 : vector<128x325xf32>
    %slice3A_915 = vector.extract_strided_slice %reshape3A_12 {offsets = [28, 0, 0], sizes = [1, 128, 325], strides = [1, 1, 1]} : vector<32x128x325xf32> to vector<1x128x325xf32>
    %squeeze3A_916 = vector.shape_cast %slice3A_915 : vector<1x128x325xf32> to vector<128x325xf32>
    %get3A_917 = arith.constant 0 : index
    %get3A_918 = arith.constant 28 : index
    %get3A_919 = memref.load %arg5[%get3A_917, %get3A_918] : memref<5x32xf32, #tpu.memory_space<smem>>
    %mul3A_920 = vector.broadcast %get3A_919 : f32 to vector<128x325xf32>
    %mul3A_921 = arith.mulf %squeeze3A_916, %mul3A_920 : vector<128x325xf32>
    %add3A_922 = arith.addf %add3A_890, %mul3A_921 : vector<128x325xf32>
    %get3A_923 = arith.constant 1 : index
    %get3A_924 = arith.constant 28 : index
    %get3A_925 = memref.load %arg5[%get3A_923, %get3A_924] : memref<5x32xf32, #tpu.memory_space<smem>>
    %mul3A_926 = vector.broadcast %get3A_925 : f32 to vector<128x325xf32>
    %mul3A_927 = arith.mulf %squeeze3A_916, %mul3A_926 : vector<128x325xf32>
    %add3A_928 = arith.addf %add3A_896, %mul3A_927 : vector<128x325xf32>
    %get3A_929 = arith.constant 2 : index
    %get3A_930 = arith.constant 28 : index
    %get3A_931 = memref.load %arg5[%get3A_929, %get3A_930] : memref<5x32xf32, #tpu.memory_space<smem>>
    %mul3A_932 = vector.broadcast %get3A_931 : f32 to vector<128x325xf32>
    %mul3A_933 = arith.mulf %squeeze3A_916, %mul3A_932 : vector<128x325xf32>
    %add3A_934 = arith.addf %add3A_902, %mul3A_933 : vector<128x325xf32>
    %get3A_935 = arith.constant 3 : index
    %get3A_936 = arith.constant 28 : index
    %get3A_937 = memref.load %arg5[%get3A_935, %get3A_936] : memref<5x32xf32, #tpu.memory_space<smem>>
    %mul3A_938 = vector.broadcast %get3A_937 : f32 to vector<128x325xf32>
    %mul3A_939 = arith.mulf %squeeze3A_916, %mul3A_938 : vector<128x325xf32>
    %add3A_940 = arith.addf %add3A_908, %mul3A_939 : vector<128x325xf32>
    %get3A_941 = arith.constant 4 : index
    %get3A_942 = arith.constant 28 : index
    %get3A_943 = memref.load %arg5[%get3A_941, %get3A_942] : memref<5x32xf32, #tpu.memory_space<smem>>
    %mul3A_944 = vector.broadcast %get3A_943 : f32 to vector<128x325xf32>
    %mul3A_945 = arith.mulf %squeeze3A_916, %mul3A_944 : vector<128x325xf32>
    %add3A_946 = arith.addf %add3A_914, %mul3A_945 : vector<128x325xf32>
    %slice3A_947 = vector.extract_strided_slice %reshape3A_12 {offsets = [29, 0, 0], sizes = [1, 128, 325], strides = [1, 1, 1]} : vector<32x128x325xf32> to vector<1x128x325xf32>
    %squeeze3A_948 = vector.shape_cast %slice3A_947 : vector<1x128x325xf32> to vector<128x325xf32>
    %get3A_949 = arith.constant 0 : index
    %get3A_950 = arith.constant 29 : index
    %get3A_951 = memref.load %arg5[%get3A_949, %get3A_950] : memref<5x32xf32, #tpu.memory_space<smem>>
    %mul3A_952 = vector.broadcast %get3A_951 : f32 to vector<128x325xf32>
    %mul3A_953 = arith.mulf %squeeze3A_948, %mul3A_952 : vector<128x325xf32>
    %add3A_954 = arith.addf %add3A_922, %mul3A_953 : vector<128x325xf32>
    %get3A_955 = arith.constant 1 : index
    %get3A_956 = arith.constant 29 : index
    %get3A_957 = memref.load %arg5[%get3A_955, %get3A_956] : memref<5x32xf32, #tpu.memory_space<smem>>
    %mul3A_958 = vector.broadcast %get3A_957 : f32 to vector<128x325xf32>
    %mul3A_959 = arith.mulf %squeeze3A_948, %mul3A_958 : vector<128x325xf32>
    %add3A_960 = arith.addf %add3A_928, %mul3A_959 : vector<128x325xf32>
    %get3A_961 = arith.constant 2 : index
    %get3A_962 = arith.constant 29 : index
    %get3A_963 = memref.load %arg5[%get3A_961, %get3A_962] : memref<5x32xf32, #tpu.memory_space<smem>>
    %mul3A_964 = vector.broadcast %get3A_963 : f32 to vector<128x325xf32>
    %mul3A_965 = arith.mulf %squeeze3A_948, %mul3A_964 : vector<128x325xf32>
    %add3A_966 = arith.addf %add3A_934, %mul3A_965 : vector<128x325xf32>
    %get3A_967 = arith.constant 3 : index
    %get3A_968 = arith.constant 29 : index
    %get3A_969 = memref.load %arg5[%get3A_967, %get3A_968] : memref<5x32xf32, #tpu.memory_space<smem>>
    %mul3A_970 = vector.broadcast %get3A_969 : f32 to vector<128x325xf32>
    %mul3A_971 = arith.mulf %squeeze3A_948, %mul3A_970 : vector<128x325xf32>
    %add3A_972 = arith.addf %add3A_940, %mul3A_971 : vector<128x325xf32>
    %get3A_973 = arith.constant 4 : index
    %get3A_974 = arith.constant 29 : index
    %get3A_975 = memref.load %arg5[%get3A_973, %get3A_974] : memref<5x32xf32, #tpu.memory_space<smem>>
    %mul3A_976 = vector.broadcast %get3A_975 : f32 to vector<128x325xf32>
    %mul3A_977 = arith.mulf %squeeze3A_948, %mul3A_976 : vector<128x325xf32>
    %add3A_978 = arith.addf %add3A_946, %mul3A_977 : vector<128x325xf32>
    %slice3A_979 = vector.extract_strided_slice %reshape3A_12 {offsets = [30, 0, 0], sizes = [1, 128, 325], strides = [1, 1, 1]} : vector<32x128x325xf32> to vector<1x128x325xf32>
    %squeeze3A_980 = vector.shape_cast %slice3A_979 : vector<1x128x325xf32> to vector<128x325xf32>
    %get3A_981 = arith.constant 0 : index
    %get3A_982 = arith.constant 30 : index
    %get3A_983 = memref.load %arg5[%get3A_981, %get3A_982] : memref<5x32xf32, #tpu.memory_space<smem>>
    %mul3A_984 = vector.broadcast %get3A_983 : f32 to vector<128x325xf32>
    %mul3A_985 = arith.mulf %squeeze3A_980, %mul3A_984 : vector<128x325xf32>
    %add3A_986 = arith.addf %add3A_954, %mul3A_985 : vector<128x325xf32>
    %get3A_987 = arith.constant 1 : index
    %get3A_988 = arith.constant 30 : index
    %get3A_989 = memref.load %arg5[%get3A_987, %get3A_988] : memref<5x32xf32, #tpu.memory_space<smem>>
    %mul3A_990 = vector.broadcast %get3A_989 : f32 to vector<128x325xf32>
    %mul3A_991 = arith.mulf %squeeze3A_980, %mul3A_990 : vector<128x325xf32>
    %add3A_992 = arith.addf %add3A_960, %mul3A_991 : vector<128x325xf32>
    %get3A_993 = arith.constant 2 : index
    %get3A_994 = arith.constant 30 : index
    %get3A_995 = memref.load %arg5[%get3A_993, %get3A_994] : memref<5x32xf32, #tpu.memory_space<smem>>
    %mul3A_996 = vector.broadcast %get3A_995 : f32 to vector<128x325xf32>
    %mul3A_997 = arith.mulf %squeeze3A_980, %mul3A_996 : vector<128x325xf32>
    %add3A_998 = arith.addf %add3A_966, %mul3A_997 : vector<128x325xf32>
    %get3A_999 = arith.constant 3 : index
    %get3A_1000 = arith.constant 30 : index
    %get3A_1001 = memref.load %arg5[%get3A_999, %get3A_1000] : memref<5x32xf32, #tpu.memory_space<smem>>
    %mul3A_1002 = vector.broadcast %get3A_1001 : f32 to vector<128x325xf32>
    %mul3A_1003 = arith.mulf %squeeze3A_980, %mul3A_1002 : vector<128x325xf32>
    %add3A_1004 = arith.addf %add3A_972, %mul3A_1003 : vector<128x325xf32>
    %get3A_1005 = arith.constant 4 : index
    %get3A_1006 = arith.constant 30 : index
    %get3A_1007 = memref.load %arg5[%get3A_1005, %get3A_1006] : memref<5x32xf32, #tpu.memory_space<smem>>
    %mul3A_1008 = vector.broadcast %get3A_1007 : f32 to vector<128x325xf32>
    %mul3A_1009 = arith.mulf %squeeze3A_980, %mul3A_1008 : vector<128x325xf32>
    %add3A_1010 = arith.addf %add3A_978, %mul3A_1009 : vector<128x325xf32>
    %slice3A_1011 = vector.extract_strided_slice %reshape3A_12 {offsets = [31, 0, 0], sizes = [1, 128, 325], strides = [1, 1, 1]} : vector<32x128x325xf32> to vector<1x128x325xf32>
    %squeeze3A_1012 = vector.shape_cast %slice3A_1011 : vector<1x128x325xf32> to vector<128x325xf32>
    %get3A_1013 = arith.constant 0 : index
    %get3A_1014 = arith.constant 31 : index
    %get3A_1015 = memref.load %arg5[%get3A_1013, %get3A_1014] : memref<5x32xf32, #tpu.memory_space<smem>>
    %mul3A_1016 = vector.broadcast %get3A_1015 : f32 to vector<128x325xf32>
    %mul3A_1017 = arith.mulf %squeeze3A_1012, %mul3A_1016 : vector<128x325xf32>
    %add3A_1018 = arith.addf %add3A_986, %mul3A_1017 : vector<128x325xf32>
    %get3A_1019 = arith.constant 1 : index
    %get3A_1020 = arith.constant 31 : index
    %get3A_1021 = memref.load %arg5[%get3A_1019, %get3A_1020] : memref<5x32xf32, #tpu.memory_space<smem>>
    %mul3A_1022 = vector.broadcast %get3A_1021 : f32 to vector<128x325xf32>
    %mul3A_1023 = arith.mulf %squeeze3A_1012, %mul3A_1022 : vector<128x325xf32>
    %add3A_1024 = arith.addf %add3A_992, %mul3A_1023 : vector<128x325xf32>
    %get3A_1025 = arith.constant 2 : index
    %get3A_1026 = arith.constant 31 : index
    %get3A_1027 = memref.load %arg5[%get3A_1025, %get3A_1026] : memref<5x32xf32, #tpu.memory_space<smem>>
    %mul3A_1028 = vector.broadcast %get3A_1027 : f32 to vector<128x325xf32>
    %mul3A_1029 = arith.mulf %squeeze3A_1012, %mul3A_1028 : vector<128x325xf32>
    %add3A_1030 = arith.addf %add3A_998, %mul3A_1029 : vector<128x325xf32>
    %get3A_1031 = arith.constant 3 : index
    %get3A_1032 = arith.constant 31 : index
    %get3A_1033 = memref.load %arg5[%get3A_1031, %get3A_1032] : memref<5x32xf32, #tpu.memory_space<smem>>
    %mul3A_1034 = vector.broadcast %get3A_1033 : f32 to vector<128x325xf32>
    %mul3A_1035 = arith.mulf %squeeze3A_1012, %mul3A_1034 : vector<128x325xf32>
    %add3A_1036 = arith.addf %add3A_1004, %mul3A_1035 : vector<128x325xf32>
    %get3A_1037 = arith.constant 4 : index
    %get3A_1038 = arith.constant 31 : index
    %get3A_1039 = memref.load %arg5[%get3A_1037, %get3A_1038] : memref<5x32xf32, #tpu.memory_space<smem>>
    %mul3A_1040 = vector.broadcast %get3A_1039 : f32 to vector<128x325xf32>
    %mul3A_1041 = arith.mulf %squeeze3A_1012, %mul3A_1040 : vector<128x325xf32>
    %add3A_1042 = arith.addf %add3A_1010, %mul3A_1041 : vector<128x325xf32>
    %get3A_1043 = arith.constant 0 : index
    %get3A_1044 = arith.constant 0 : index
    %get3A_1045 = memref.load %arg6[%get3A_1043, %get3A_1044] : memref<1x4xf32, #tpu.memory_space<smem>>
    %add3A_1046 = vector.broadcast %get3A_1045 : f32 to vector<128x325xf32>
    %add3A_1047 = arith.addf %add3A_1018, %add3A_1046 : vector<128x325xf32>
    %max3A = arith.constant 0.000000e+00 : f32
    %max3A_1048 = vector.broadcast %max3A : f32 to vector<128x325xf32>
    %max3A_1049 = arith.maximumf %add3A_1047, %max3A_1048 : vector<128x325xf32>
    %get3A_1050 = arith.constant 0 : index
    %get3A_1051 = arith.constant 0 : index
    %get3A_1052 = memref.load %arg7[%get3A_1050, %get3A_1051] : memref<1x4xf32, #tpu.memory_space<smem>>
    %mul3A_1053 = vector.broadcast %get3A_1052 : f32 to vector<128x325xf32>
    %mul3A_1054 = arith.mulf %max3A_1049, %mul3A_1053 : vector<128x325xf32>
    %add3A_1055 = arith.constant 0.000000e+00 : f32
    %add3A_1056 = vector.broadcast %add3A_1055 : f32 to vector<128x325xf32>
    %add3A_1057 = arith.addf %add3A_1056, %mul3A_1054 : vector<128x325xf32>
    %get3A_1058 = arith.constant 0 : index
    %get3A_1059 = arith.constant 1 : index
    %get3A_1060 = memref.load %arg6[%get3A_1058, %get3A_1059] : memref<1x4xf32, #tpu.memory_space<smem>>
    %add3A_1061 = vector.broadcast %get3A_1060 : f32 to vector<128x325xf32>
    %add3A_1062 = arith.addf %add3A_1024, %add3A_1061 : vector<128x325xf32>
    %max3A_1063 = arith.constant 0.000000e+00 : f32
    %max3A_1064 = vector.broadcast %max3A_1063 : f32 to vector<128x325xf32>
    %max3A_1065 = arith.maximumf %add3A_1062, %max3A_1064 : vector<128x325xf32>
    %get3A_1066 = arith.constant 0 : index
    %get3A_1067 = arith.constant 1 : index
    %get3A_1068 = memref.load %arg7[%get3A_1066, %get3A_1067] : memref<1x4xf32, #tpu.memory_space<smem>>
    %mul3A_1069 = vector.broadcast %get3A_1068 : f32 to vector<128x325xf32>
    %mul3A_1070 = arith.mulf %max3A_1065, %mul3A_1069 : vector<128x325xf32>
    %add3A_1071 = arith.addf %add3A_1057, %mul3A_1070 : vector<128x325xf32>
    %get3A_1072 = arith.constant 0 : index
    %get3A_1073 = arith.constant 2 : index
    %get3A_1074 = memref.load %arg6[%get3A_1072, %get3A_1073] : memref<1x4xf32, #tpu.memory_space<smem>>
    %add3A_1075 = vector.broadcast %get3A_1074 : f32 to vector<128x325xf32>
    %add3A_1076 = arith.addf %add3A_1030, %add3A_1075 : vector<128x325xf32>
    %max3A_1077 = arith.constant 0.000000e+00 : f32
    %max3A_1078 = vector.broadcast %max3A_1077 : f32 to vector<128x325xf32>
    %max3A_1079 = arith.maximumf %add3A_1076, %max3A_1078 : vector<128x325xf32>
    %get3A_1080 = arith.constant 0 : index
    %get3A_1081 = arith.constant 2 : index
    %get3A_1082 = memref.load %arg7[%get3A_1080, %get3A_1081] : memref<1x4xf32, #tpu.memory_space<smem>>
    %mul3A_1083 = vector.broadcast %get3A_1082 : f32 to vector<128x325xf32>
    %mul3A_1084 = arith.mulf %max3A_1079, %mul3A_1083 : vector<128x325xf32>
    %add3A_1085 = arith.addf %add3A_1071, %mul3A_1084 : vector<128x325xf32>
    %get3A_1086 = arith.constant 0 : index
    %get3A_1087 = arith.constant 3 : index
    %get3A_1088 = memref.load %arg6[%get3A_1086, %get3A_1087] : memref<1x4xf32, #tpu.memory_space<smem>>
    %add3A_1089 = vector.broadcast %get3A_1088 : f32 to vector<128x325xf32>
    %add3A_1090 = arith.addf %add3A_1036, %add3A_1089 : vector<128x325xf32>
    %max3A_1091 = arith.constant 0.000000e+00 : f32
    %max3A_1092 = vector.broadcast %max3A_1091 : f32 to vector<128x325xf32>
    %max3A_1093 = arith.maximumf %add3A_1090, %max3A_1092 : vector<128x325xf32>
    %get3A_1094 = arith.constant 0 : index
    %get3A_1095 = arith.constant 3 : index
    %get3A_1096 = memref.load %arg7[%get3A_1094, %get3A_1095] : memref<1x4xf32, #tpu.memory_space<smem>>
    %mul3A_1097 = vector.broadcast %get3A_1096 : f32 to vector<128x325xf32>
    %mul3A_1098 = arith.mulf %max3A_1093, %mul3A_1097 : vector<128x325xf32>
    %add3A_1099 = arith.addf %add3A_1085, %mul3A_1098 : vector<128x325xf32>
    %reduce_max3A = arith.constant dense<0xFF800000> : vector<128xf32>
    %reduce_max3A_1100 = vector.multi_reduction <maximumf>, %add3A_1099, %reduce_max3A [1] : vector<128x325xf32> to vector<128xf32>
    %broadcast_in_dim3A_1101 = vector.shape_cast %reduce_max3A_1100 : vector<128xf32> to vector<128x1xf32>
    %sub3A = vector.broadcast %broadcast_in_dim3A_1101 : vector<128x1xf32> to vector<128x325xf32>
    %sub3A_1102 = arith.subf %add3A_1099, %sub3A : vector<128x325xf32>
    %exp3A = math.exp %sub3A_1102 : vector<128x325xf32>
    %reduce_sum3A = arith.constant dense<0.000000e+00> : vector<128xf32>
    %reduce_sum3A_1103 = vector.multi_reduction <add>, %exp3A, %reduce_sum3A [1] : vector<128x325xf32> to vector<128xf32>
    %broadcast_in_dim3A_1104 = vector.shape_cast %reduce_sum3A_1103 : vector<128xf32> to vector<128x1xf32>
    %mul3A_1105 = arith.mulf %exp3A, %add3A_1042 : vector<128x325xf32>
    %reduce_sum3A_1106 = arith.constant dense<0.000000e+00> : vector<128xf32>
    %reduce_sum3A_1107 = vector.multi_reduction <add>, %mul3A_1105, %reduce_sum3A_1106 [1] : vector<128x325xf32> to vector<128xf32>
    %broadcast_in_dim3A_1108 = vector.shape_cast %reduce_sum3A_1107 : vector<128xf32> to vector<128x1xf32>
    %div3A = arith.divf %broadcast_in_dim3A_1108, %broadcast_in_dim3A_1104 : vector<128x1xf32>
    %get3A_1109 = arith.constant 0 : index
    %get3A_1110 = arith.constant 0 : index
    %get3A_1111 = vector.load %arg2[%get3A_1109, %get3A_1110] : memref<128x26xf32, #tpu.memory_space<vmem>>, vector<128x26xf32>
    %reduce_sum3A_1112 = arith.constant dense<0.000000e+00> : vector<128xf32>
    %reduce_sum3A_1113 = vector.multi_reduction <add>, %get3A_1111, %reduce_sum3A_1112 [1] : vector<128x26xf32> to vector<128xf32>
    %broadcast_in_dim3A_1114 = vector.shape_cast %reduce_sum3A_1113 : vector<128xf32> to vector<128x1xf32>
    %get3A_1115 = arith.constant 0 : index
    %get3A_1116 = arith.constant 0 : index
    %get3A_1117 = memref.load %arg8[%get3A_1115, %get3A_1116] : memref<1x1xf32, #tpu.memory_space<smem>>
    %add3A_1118 = vector.broadcast %get3A_1117 : f32 to vector<128x1xf32>
    %add3A_1119 = arith.addf %add3A_1118, %broadcast_in_dim3A_1114 : vector<128x1xf32>
    %add3A_1120 = arith.addf %add3A_1119, %div3A : vector<128x1xf32>
    %logistic3A = arith.negf %add3A_1120 : vector<128x1xf32>
    %logistic3A_1121 = math.exp %logistic3A : vector<128x1xf32>
    %logistic3A_1122 = arith.constant 1.000000e+00 : f32
    %logistic3A_1123 = vector.broadcast %logistic3A_1122 : f32 to vector<128x1xf32>
    %logistic3A_1124 = arith.addf %logistic3A_1123, %logistic3A_1121 : vector<128x1xf32>
    %logistic3A_1125 = arith.divf %logistic3A_1123, %logistic3A_1124 : vector<128x1xf32>
    %swap3A = arith.constant 0 : index
    %swap3A_1126 = arith.constant 0 : index
    %swap3A_1127 = vector.load %arg9[%swap3A, %swap3A_1126] : memref<128x1xf32, #tpu.memory_space<vmem>>, vector<128x1xf32>
    tpu.vector_store %arg9[%swap3A, %swap3A_1126], %logistic3A_1125 {strides = array<i32>} : memref<128x1xf32, #tpu.memory_space<vmem>>, vector<128x1xf32>,
    return
  }
  func.func @transform_0(%arg0: i32) -> (i32, i32, i32) {
    %c0_i32 = arith.constant 0 : i32
    %c0_i32_0 = arith.constant 0 : i32
    %c0_i32_1 = arith.constant 0 : i32
    return %c0_i32, %arg0, %c0_i32_0 : i32, i32, i32
  }
  func.func @transform_1(%arg0: i32) -> (i32, i32) {
    %c0_i32 = arith.constant 0 : i32
    %c0_i32_0 = arith.constant 0 : i32
    return %arg0, %c0_i32 : i32, i32
  }
  func.func @transform_2(%arg0: i32) -> (i32, i32) {
    %c0_i32 = arith.constant 0 : i32
    %c0_i32_0 = arith.constant 0 : i32
    %c0_i32_1 = arith.constant 0 : i32
    return %c0_i32, %c0_i32_0 : i32, i32
  }
  func.func @transform_3(%arg0: i32) -> (i32, i32) {
    %c0_i32 = arith.constant 0 : i32
    %c0_i32_0 = arith.constant 0 : i32
    %c0_i32_1 = arith.constant 0 : i32
    return %c0_i32, %c0_i32_0 : i32, i32
  }
  func.func @transform_4(%arg0: i32) -> (i32, i32) {
    %c0_i32 = arith.constant 0 : i32
    %c0_i32_0 = arith.constant 0 : i32
    %c0_i32_1 = arith.constant 0 : i32
    return %c0_i32, %c0_i32_0 : i32, i32
  }
  func.func @transform_5(%arg0: i32) -> (i32, i32) {
    %c0_i32 = arith.constant 0 : i32
    %c0_i32_0 = arith.constant 0 : i32
    %c0_i32_1 = arith.constant 0 : i32
    return %c0_i32, %c0_i32_0 : i32, i32
  }
  func.func @transform_6(%arg0: i32) -> (i32, i32) {
    %c0_i32 = arith.constant 0 : i32
    %c0_i32_0 = arith.constant 0 : i32
    %c0_i32_1 = arith.constant 0 : i32
    return %c0_i32, %c0_i32_0 : i32, i32
  }
  func.func @transform_7(%arg0: i32) -> (i32, i32) {
    %c0_i32 = arith.constant 0 : i32
    %c0_i32_0 = arith.constant 0 : i32
    %c0_i32_1 = arith.constant 0 : i32
    return %c0_i32, %c0_i32_0 : i32, i32
  }
  func.func @transform_8(%arg0: i32) -> (i32, i32) {
    %c0_i32 = arith.constant 0 : i32
    %c0_i32_0 = arith.constant 0 : i32
    return %arg0, %c0_i32 : i32, i32
  }
}

</mosaic_0001>

<sc_bundles>
// kernel: kernel.4.cloned.1.call-start
scs
__scs_entry_jumppad:
0x0: {  	(pc) =	sbr.rel $0x88, $3  }
0x1: {  	(tag) =	ssettag $0x0;
	lr =	simm.s32 $0x1  }
0x2: {  	[smem:$0x3F99] =	sst lr;
	_ =	strace $0xD0000000  }
0x3: {  	_ = 	snop  }
0x4: {  	_ = 	snop  }
0x5: {  	_ = 	snop  }
0x6: {  	_ = 	snop  }
0x7: {  	_ = 	snop  }
__scs_overlays_trampoline_lowered:
0x8: {  	[smem:$0x3FA8] =	sst s0  }
0x9: {  	[smem:$0x3FA9] =	sst s1  }
0xa: {  	[smem:$0x3FAA] =	sst s2  }
0xb: {  	[smem:$0x3FAB] =	sst s3  }
0xc: {  	[smem:$0x3FAC] =	sst s4  }
0xd: {  	[smem:$0x3FAD] =	sst s5  }
0xe: {  	[smem:$0x3FAE] =	sst s6  }
0xf: {  	[smem:$0x3FAF] =	sst s7  }
0x10: {  	[smem:$0x3FB0] =	sst s8  }
0x11: {  	[smem:$0x3FB1] =	sst s9;
	s0 =	simm.s32 @!p0 $0x0  }
0x12: {  	s1 =	sld [smem:$0x3F97];
	s0 =	simm.s32 @p0 $0x1  }
0x13: {  	[smem:$0x3FB2] =	sst s0;
	s0 =	simm.s32 @!p1 $0x0  }
0x14: {  	s2 =	sld [smem:$0x3F96];
	s0 =	simm.s32 @p1 $0x1  }
0x15: {  	[smem:$0x3FB3] =	sst s0;
	s0 =	simm.s32 @!p2 $0x0  }
0x16: {  	s3 =	sld [smem:$0x3FDB];
	s0 =	simm.s32 @p2 $0x1  }
0x17: {  	s4 =	simm.s32 $0x1BF5;
	[smem:$0x3FB5] =	sst s0  }
0x18: {  	s0 =	sld [smem:$0x3F98];
	_ =	swait.ge [sflag:s4], $0x0  }
0x19: {  	s7 =	sld [smem:$0x3F99]  }
0x1a: {  	s8 =	sadd.s32 $0xFFFFE003, lr  }
0x1b: {  	s9 =	sadd.s32 $0xFFFFFEF7, lr;
	s5 =	simm.s32 $0xFFFFFFFF;
	p2 =	slt.u32 s8, $0xFFFFF086  }
0x1c: {  	p1 =	slt.u32 s9, $0xF7A;
	s5 =	simm.s32 @!p2 $0x0  }
0x1d: {  	s5 =	simm.s32 @p1 $0x1;
	p0 =	seq.s32 s7, s2  }
0x1e: {  	s7 =	smul.u32 @!p0 $0xF7A, s2;
	p2 =	seq.s32 @!p0 s5, $0x0  }
0x1f: {  	s9 =	smul.u32 $0xF7A, s1;
	s8 =	simm.s32 @!p0 $0x1BF5;
	p2 =	por !p2, p0  }
0x20: {  	[sflag:s8] =	ssyncset.s32 @!p0 $0xFFFFF086;
	s6 =	sadd.s32 @!p0 s3, s7;
	s7 =	simm.s32 @!p0 $0x108  }
0x21: {  	s3 =	sadd.s32 s3, s9;
	s6 =	sadd.s32 @!p0 $0x88, s6;
	s7 =	simm.s32 @p2 $0x1082  }
0x22: {  	[simem:s7], [sflag:s8] =	dma.local @!p0 [hbm:s6], $0xF7A  }
0x23: {  	s9 =	sor.u32 $0xD0000000, s2;
	s6 =	simm.s32 $0x108;
	_ =	swait.ge @!p0 [sflag:s8], $0x0  }
0x24: {  	s3 =	sadd.s32 $0x88, s3;
	s6 =	simm.s32 @!p1 $0x1082;
	[sflag:s4] =	ssyncset.s32 $0xFFFFF086  }
0x25: {  	[simem:s6], [sflag:s4] =	dma.local [hbm:s3], $0xF7A  }
0x26: {  	[smem:$0x3F99] =	sst s1;
	(tag) =	ssettag s2;
	_ =	strace s9  }
0x27: {  	s1 =	sld [smem:$0x3FA9]  }
0x28: {  	s2 =	sld [smem:$0x3FAA]  }
0x29: {  	s4 =	sld [smem:$0x3FAC]  }
0x2a: {  	p0 =	seq.s32 s5, $0x0;
	s5 =	sld [smem:$0x3FAD]  }
0x2b: {  	s6 =	sld [smem:$0x3FAE]  }
0x2c: {  	s7 =	sld [smem:$0x3FAF]  }
0x2d: {  	s3 =	simm.s32 $0x108;
	s8 =	sld [smem:$0x3FB0]  }
0x2e: {  	s3 =	simm.s32 @!p0 $0x1082;
	s9 =	sld [smem:$0x3FB1]  }
0x2f: {  	lr =	sadd.s32 s0, s3;
	s0 =	sld [smem:$0x3FA8]  }
0x30: {  	s3 =	sld [smem:$0x3FAB]  }
0x31: {  	[smem:$0x3FB4] =	sst s10  }
0x32: {  	s10 =	sld [smem:$0x3FB2];
	_ =	sdelay $0x3  }
0x33: {  	p0 =	seq.s32 s10, $0x1;
	s10 =	sld [smem:$0x3FB4];
	_ =	sdelay $0x3  }
0x34: {  	[smem:$0x3FB4] =	sst s10  }
0x35: {  	s10 =	sld [smem:$0x3FB3];
	_ =	sdelay $0x3  }
0x36: {  	p1 =	seq.s32 s10, $0x1;
	s10 =	sld [smem:$0x3FB4];
	_ =	sdelay $0x3  }
0x37: {  	[smem:$0x3FB4] =	sst s10  }
0x38: {  	s10 =	sld [smem:$0x3FB5]  }
0x39: {  	_ = 	snop;
	(pc) =	sbr.ind lr, $3  }
0x3a: {  	_ = 	snop  }
0x3b: {  	_ = 	snop  }
0x3c: {  	p2 =	seq.s32 s10, $0x1;
	s10 =	sld [smem:$0x3FB4]  }
0x3d: {  	_ =	shalt  }
0x3e: {  	_ =	shalt  }
0x3f: {  	_ =	shalt  }
0x40: {  	_ =	shalt  }
0x41: {  	_ =	shalt  }
0x42: {  	_ =	shalt  }
0x43: {  	_ =	shalt  }
0x44: {  	_ =	shalt  }
0x45: {  	_ =	shalt  }
0x46: {  	_ =	shalt  }
0x47: {  	_ =	shalt  }
0x48: {  	_ =	shalt  }
0x49: {  	_ =	shalt  }
0x4a: {  	_ =	shalt  }
0x4b: {  	_ =	shalt  }
0x4c: {  	_ =	shalt  }
0x4d: {  	_ =	shalt  }
0x4e: {  	_ =	shalt  }
0x4f: {  	_ =	shalt  }
0x50: {  	_ =	shalt  }
0x51: {  	_ =	shalt  }
0x52: {  	_ =	shalt  }
0x53: {  	_ =	shalt  }
0x54: {  	_ =	shalt  }
0x55: {  	_ =	shalt  }
0x56: {  	_ =	shalt  }
0x57: {  	_ =	shalt  }
0x58: {  	_ =	shalt  }
0x59: {  	_ =	shalt  }
0x5a: {  	_ =	shalt  }
0x5b: {  	_ =	shalt  }
0x5c: {  	_ =	shalt  }
0x5d: {  	_ =	shalt  }
0x5e: {  	_ =	shalt  }
0x5f: {  	_ =	shalt  }
0x60: {  	_ =	shalt  }
0x61: {  	_ =	shalt  }
0x62: {  	_ =	shalt  }
0x63: {  	_ =	shalt  }
0x64: {  	_ =	shalt  }
0x65: {  	_ =	shalt  }
0x66: {  	_ =	shalt  }
0x67: {  	_ =	shalt  }
0x68: {  	_ =	shalt  }
0x69: {  	_ =	shalt  }
0x6a: {  	_ =	shalt  }
0x6b: {  	_ =	shalt  }
0x6c: {  	_ =	shalt  }
0x6d: {  	_ =	shalt  }
0x6e: {  	_ =	shalt  }
0x6f: {  	_ =	shalt  }
0x70: {  	_ =	shalt  }
0x71: {  	_ =	shalt  }
0x72: {  	_ =	shalt  }
0x73: {  	_ =	shalt  }
0x74: {  	_ =	shalt  }
0x75: {  	_ =	shalt  }
0x76: {  	_ =	shalt  }
0x77: {  	_ =	shalt  }
0x78: {  	_ =	shalt  }
0x79: {  	_ =	shalt  }
0x7a: {  	_ =	shalt  }
0x7b: {  	_ =	shalt  }
0x7c: {  	_ =	shalt  }
0x7d: {  	_ =	shalt  }
0x7e: {  	_ =	shalt  }
0x7f: {  	_ =	shalt  }
0x80: {  	_ =	shalt  }
0x81: {  	_ =	shalt  }
0x82: {  	_ =	shalt  }
0x83: {  	_ =	shalt  }
0x84: {  	_ =	shalt  }
0x85: {  	_ =	shalt  }
0x86: {  	_ =	shalt  }
0x87: {  	_ =	shalt  }
.Lfunc_end0:
.L_simem_size_0:
called_computation_lowered:
.L_overlay_start_0:
0x88: {  	s2 =	sld [smem:$0x3FD9]  }
0x89: {  	s3 =	sld [smem:$0x3FFE];
	_ =	sdelay $0x1  }
0x8a: {  	s1 =	srdreg.scid  }
0x8b: {  	s0 =	sand.u32 $0x1, s1  }
0x8c: {  	s16 =	sshll.u32 s0, $0xA;
	s2 =	sadd.s32 s3, s2  }
0x8d: {  	s2 =	sadd.s32 s2, s16  }
0x8e: {  	[smem:$0x3FC0] =	sst s2  }
0x8f: {  	_ = 	snop  }
0x90: {  	(tm) =	ssettm $0x1  }
0x91: {  	s17 =	sld [smem:$0x3FFB];
	_ =	sdelay $0x3  }
0x92: {  	_ =	strace s17  }
0x93: {  	s2 =	sld [smem:$0x3FFC];
	_ =	sdelay $0x3  }
0x94: {  	_ =	strace s2  }
0x95: {  	s2 =	sld [smem:$0x3FFD];
	_ =	sdelay $0x3  }
0x96: {  	_ =	strace s2  }
0x97: {  	_ =	strace $0x8FFFFFFF  }
0x98: {  	s18 =	sld [smem:$0x3FDB];
	_ =	sdelay $0x1  }
0x99: {  	s19 =	simm.s32 $_scs_section_size  }
0x9a: {  	s4 =	simm.s32 $_size__tile_overlayer_lowered;
	s5 =	simm.s32 $_tile_overlayer_lowered  }
0x9b: {  	s22 =	simm.s32 $0x1BFF;
	s21 =	sshll.u32 s5, $0x1;
	s2 =	sadd.s32 s19, s18  }
0x9c: {  	s6 =	simm.s32 $0x0;
	s20 =	sshll.u32 s4, $0x1;
	s4 =	sadd.s32 s21, s2  }
0x9d: {  	[timem:s6], [sflag:s22] =	dma.local [hbm:s4], s20  }
0x9e: {  	_ =	swait.ge [sflag:s22], s20  }
0x9f: {  	s3 =	ssub.s32 $0x0, s20;
	[sflag:s22] =	ssyncset.done $0x0  }
0xa0: {  	[sflag:s22] =	ssyncadd.s32 s3;
	_ =	sdelay $0x1  }
0xa1: {  	s23 =	simm.s32 $0x1B8B  }
0xa2: {  	_ =	swait.ge [sflag:s23], $0x1  }
0xa3: {  	[sflag:s23] =	ssyncset.done $0x0  }
0xa4: {  	s25 =	simm.s32 $0x1B8E;
	s24 =	sld [smem:$0x3FFE];
	[sflag:s23] =	ssyncadd.s32 $0xFFFFFFFF  }
0xa5: {  	s26 =	simm.s32 $execute0_lowered;
	[smem:$0x3FD2] =	sst s25  }
0xa6: {  	s4 =	sshll.u32 s26, $0x1;
	_ =	strace $0x80000046;
	[dreg:$0x1] =	wrdreg $0xFFFFFFFF  }
0xa7: {  	s28 =	simm.s32 $_size_execute0_lowered;
	s2 =	sadd.s32 s2, s4;
	[dreg:$0x0] =	wrdreg $0x0  }
0xa8: {  	s4 =	sshll.u32 s28, $0x1;
	[dreg:$0x2] =	wrdreg s2  }
0xa9: {  	[dreg:$0x3] =	wrdreg s4  }
0xaa: {  	[dreg:$0x4] =	wrdreg $0xC0  }
0xab: {  	_ =	task [dreg:s6], $0x5FFFF  }
0xac: {  	[dreg:$0x1] =	wrdreg $0xFFFFFFFF  }
0xad: {  	[dreg:$0x0] =	wrdreg $0x60  }
0xae: {  	[dreg:$0x2] =	wrdreg s24  }
0xaf: {  	[dreg:$0x3] =	wrdreg $0x9  }
0xb0: {  	_ =	task.clear_ibuf [dreg:s6], $0x4FFFF;
	_ =	strace $0x90000046  }
0xb1: {  	s29 =	simm.s32 $0x9;
	_ =	strace $0x80000048  }
0xb2: {  	_ =	swait.ge [sflag:s29], $0x1  }
0xb3: {  	[sflag:s29] =	ssyncadd.s32 $0xFFFFFFFF  }
0xb4: {  	_ =	strace $0x90000048  }
0xb5: {  	_ =	sfence  }
0xb6: {  	s30 =	sld [smem:$0x0];
	_ =	sdelay $0x2  }
0xb7: {  	s31 =	sshll.u32 s1, $0xD;
	s1 =	sshrl.u32 s1, $0x2  }
0xb8: {  	s3 =	sand.u32 $0x4000, s31;
	s1 =	sadd.s32 s1, s30  }
0xb9: {  	s0 =	sor.u32 s3, s0;
	s1 =	sshll.u32 s1, $0x11  }
0xba: {  	s0 =	sor.u32 s1, s0  }
0xbb: {  	s0 =	sadd.s32 $0x8F2B, s0  }
0xbc: {  	[sflag:s0] =	ssyncadd.remote.s32 $0x1  }
0xbd: {  	_ =	sfence.sel $0xFFFF  }
0xbe: {  	[dreg:$0x0] =	wrdreg $0xFFFFFFFF;
	(pc) =	sbr.abs _section_cstart, $3  }
0xbf: {  	[dreg:$0x1] =	wrdreg $0xFFFFFFFF  }
0xc0: {  	_ =	task.clear_ibuf [dreg:s6], $0x2FFFF;
	_ =	strace $0x9FFFFFFF  }
0xc1: {  	(tm) =	ssettm $0x7FFFFFFF  }
tec
execute0_lowered:
.L_overlay_start_1:
0x0: {  	(tag) =	ssettag $0x1  }
0x1: {  	s1 =	srdreg.scid;
	s0 =	stileid.u32  }
0x2: {  	s11 =	sand.u32 $0x1, s1;
	s28 =	sshll.u32 s0, $0x1  }
0x3: {  	s10 =	sor.u32 s11, s28  }
0x4: {  	s12 =	rddreg [dreg:$0x0];
	s3 =	smul.u32 $0x1A0, s10  }
0x5: {  	s2 =	simm.s32 $0x0;
	s1 =	rddreg [dreg:$0x1]  }
0x6: {  	[smem:$0x7FF] =	sst s2;
	s13 =	sadd.s32 s3, s12  }
0x7: {  	_ =	strace $0x80000047;
	s3 =	simm.s32 $0x3;
	s4 =	sadd.s32 $0x1600, s13  }
0x8: {  	[tilespmem:s2], [sflag:$0x3] =	stream.linear.gather [hbm4b:s4+s2], $0xD00, $0x38;
	[tilespmem:$0x1BA00] =	vst v63  }
0x9: {  	_ =	swait.ge [sflag:s3], $0xD00  }
0xa: {  	[sflag:s3] =	ssyncset.done $0x0  }
0xb: {  	s6 =	simm.s32 $0xD00;
	s5 =	sadd.s32 $0x188000, s12;
	[sflag:s3] =	ssyncadd.s32 $0xFFFFF300  }
0xc: {  	[tilespmem:s6], [sflag:$0x1] =	stream.indirect.gather [hbm4b:s5+s6], $0x20, s2, s6, $0xb8;
	[tilespmem:$0x1BA00] =	vst v63  }
0xd: {  	s8 =	simm.s32 $0x1AD00;
	s9 =	simm.s32 $0x1;
	s7 =	sadd.s32 $0x4A00, s12  }
0xe: {  	[tilespmem:s8], [sflag:$0x2] =	stream.indirect.gather [hbm4b:s7+s6], $0x1, s2, s6, $0xb8;
	[tilespmem:$0x1BA00] =	vst v63  }
0xf: {  	_ =	swait.ge [sflag:s9], $0x1A000  }
0x10: {  	s29 =	ssub.s32 $0x2, s11;
	[sflag:s9] =	ssyncset.done $0x0  }
0x11: {  	s14 =	smul.u32 $0x3400, s10;
	s10 =	simm.s32 $0x2;
	[sflag:s9] =	ssyncadd.s32 $0xFFFE6000  }
0x12: {  	s30 =	sshrl.u32 s29, $0x1;
	_ =	swait.ge [sflag:s10], $0xD00  }
0x13: {  	s12 =	sadd.s32 s14, s12;
	s14 =	ssub.s32 s29, s30;
	[sflag:s10] =	ssyncset.done $0x0  }
0x14: {  	s11 =	sadd.s32 $0x7C00, s12;
	s31 =	smax.u32 s14, $0x1;
	[sflag:s10] =	ssyncadd.s32 $0xFFFFF300  }
0x15: {  	[hbm4b:s11+s2] =	stream.linear.scatter [tilespmem:s6], [sflag:$0x3], $0x1A000, $0x38;
	[tilespmem:$0x1BA00] =	vst v63  }
0x16: {  	p0 =	sne.s32 s31, $0x1;
	_ =	swait.ge [sflag:s3], $0x1A000  }
.Ltmp0:
0x17: {  	[sflag:s3] =	ssyncset.done $0x0;
	(pc) =	sbr.rel @!p0 .LBB2_2-.Ltmp0, $4  }
0x18: {  	s12 =	sadd.s32 $0x6FC00, s13;
	[sflag:s3] =	ssyncadd.s32 $0xFFFE6000  }
0x19: {  	[hbm4b:s12+s2] =	stream.linear.scatter [tilespmem:s8], [sflag:$0x3], $0xD00, $0x38;
	[tilespmem:$0x1BA00] =	vst v63  }
0x1a: {  	_ =	swait.ge [sflag:s3], $0xD00  }
0x1b: {  	s13 =	sadd.s32 $0xFFFFFFFF, s31;
	[sflag:s3] =	ssyncset.done $0x0  }
.LBB2_1:
0x1c: {  	p0 =	sne.s32 s13, $0x1;
	s13 =	sadd.s32 $0xFFFFFFFF, s13;
	[sflag:s3] =	ssyncadd.s32 $0xFFFFF300  }
0x1d: {  	[tilespmem:s2], [sflag:$0x3] =	stream.linear.gather [hbm4b:s4+s2], $0xD00, $0x38;
	[tilespmem:$0x1BA00] =	vst v63  }
0x1e: {  	_ =	swait.ge [sflag:s3], $0xD00  }
0x1f: {  	[sflag:s3] =	ssyncset.done $0x0  }
0x20: {  	[sflag:s3] =	ssyncadd.s32 $0xFFFFF300  }
0x21: {  	[tilespmem:s6], [sflag:$0x1] =	stream.indirect.gather [hbm4b:s5+s6], $0x20, s2, s6, $0xb8;
	[tilespmem:$0x1BA00] =	vst v63  }
0x22: {  	_ = 	snop  }
0x23: {  	[tilespmem:s8], [sflag:$0x2] =	stream.indirect.gather [hbm4b:s7+s6], $0x1, s2, s6, $0xb8;
	[tilespmem:$0x1BA00] =	vst v63  }
0x24: {  	_ =	swait.ge [sflag:s9], $0x1A000  }
0x25: {  	[sflag:s9] =	ssyncset.done $0x0  }
0x26: {  	[sflag:s9] =	ssyncadd.s32 $0xFFFE6000  }
0x27: {  	_ =	swait.ge [sflag:s10], $0xD00  }
0x28: {  	[sflag:s10] =	ssyncset.done $0x0  }
0x29: {  	[sflag:s10] =	ssyncadd.s32 $0xFFFFF300  }
0x2a: {  	[hbm4b:s11+s2] =	stream.linear.scatter [tilespmem:s6], [sflag:$0x3], $0x1A000, $0x38;
	[tilespmem:$0x1BA00] =	vst v63  }
0x2b: {  	_ =	swait.ge [sflag:s3], $0x1A000  }
.Ltmp1:
0x2c: {  	[sflag:s3] =	ssyncset.done $0x0;
	(pc) =	sbr.rel @p0 .LBB2_1-.Ltmp1, $4  }
0x2d: {  	[sflag:s3] =	ssyncadd.s32 $0xFFFE6000  }
0x2e: {  	[hbm4b:s12+s2] =	stream.linear.scatter [tilespmem:s8], [sflag:$0x3], $0xD00, $0x38;
	[tilespmem:$0x1BA00] =	vst v63  }
0x2f: {  	_ =	swait.ge [sflag:s3], $0xD00  }
0x30: {  	[sflag:s3] =	ssyncset.done $0x0  }
.LBB2_2:
0x31: {  	[sflag:s3] =	ssyncadd.s32 $0xFFFFF300  }
0x32: {  	_ =	sfence.sel $0x180000  }
0x33: {  	[bflag:$0x0] =	sbarrier.arrive $0xFFFF  }
0x34: {  	p0 =	sne.s32 s0, $0x0;
	_ =	strace $0x90000047  }
0x35: {  	s0 =	sadd.s32 @!p0 $0x100000, s1;
	[bflag:$0x2] =	sbarrier.arrive $0xFFFF  }
0x36: {  	[sflag:s0] =	ssyncadd.tile.s32 @!p0 $0x1;
	_ =	shalt  }
.Lfunc_end2:
_tile_overlayer_lowered:
.L_overlay_start_2:
0x37: {  	(tag) =	ssettag $0x2  }
0x38: {  	s0 =	rddreg [dreg:$0x0];
	s2 =	stileid.u32  }
0x39: {  	s1 =	rddreg [dreg:$0x1];
	p0 =	sne.s32 s2, $0x0  }
0x3a: {  	s3 =	rddreg [dreg:$0x2];
	[bflag:$0x3] =	sbarrier.arrive $0xFFFF;
	s2 =	simm.s32 @!p0 $0x1C03  }
0x3b: {  	[timem:s3], [sflag:s2] =	dma.local @!p0 [hbm:s0], s1  }
0x3c: {  	s0 =	simm.s32 @!p0 $0x3  }
0x3d: {  	_ =	swait.ge @!p0 [sflag:s0], s1  }
0x3e: {  	s1 =	ssub.s32 @!p0 $0x0, s1;
	[sflag:s0] =	ssyncset.done @!p0 $0x0  }
0x3f: {  	[sflag:s0] =	ssyncadd.s32 @!p0 s1  }
0x40: {  	[bflag:$0x3] =	sbarrier.arrive $0xFFFF  }
0x41: {  	_ =	shalt  }

</sc_bundles>
